<compile_context>
chip_gen: v7x
topology: tpu7x:2x2x1
jax: 0.10.2.dev20260603
libtpu: 0.0.44.dev20260713+nightly
codegen_flags: <defaults>
</compile_context>

<pallas_src>
import jax
import jax.numpy as jnp
from jax import lax
from jax.experimental import pallas as pl
from jax.experimental.pallas import tpu as pltpu
from jax.experimental.pallas import tpu_sc as plsc

NXK = 512
NYK = 512
NCH = 64
NVOX = 40000
NPAD = 40960
PLANE = NXK * NYK
NVPT = NPAD // 32
POSPT = PLANE // 32
TBLK = 8192
CT_ROWS = PLANE + TBLK


def _tc_prep_body(vf_ref, ct_ref, vf2_ref, idx_ref):
    vf2_ref[...] = vf_ref[...]
    i = pl.program_id(0)
    ct = ct_ref[:, pl.ds(i * 2048, 2048)]
    idx_ref[...] = ct[0, :] * NYK + ct[1, :]


def _tc_prep(vf, coords_t):
    return pl.pallas_call(
        _tc_prep_body,
        grid=(20,),
        in_specs=[
            pl.BlockSpec((2000, NCH), lambda i: (i, 0)),
            pl.BlockSpec((2, NPAD), lambda i: (0, 0)),
        ],
        out_specs=[
            pl.BlockSpec((2000, NCH), lambda i: (i, 0)),
            pl.BlockSpec((2048,), lambda i: (i,)),
        ],
        out_shape=[
            jax.ShapeDtypeStruct((NVOX, NCH), jnp.float32),
            jax.ShapeDtypeStruct((NPAD,), jnp.int32),
        ],
    )(vf, coords_t)


def _sc_idplane_body(idx_hbm, idp_hbm, idx_v, idb):
    wid = lax.axis_index("s") * 2 + lax.axis_index("c")
    base = wid * POSPT

    pltpu.sync_copy(idx_hbm, idx_v)

    def zero_body(i, c):
        idb[pl.ds(i * 16, 16)] = jnp.zeros((16,), jnp.int32)
        return c

    lax.fori_loop(0, POSPT // 16, zero_body, 0)

    def scan_body(w, c):
        gidx = idx_v[pl.ds(w * 16, 16)]
        lpos = gidx - base
        msk = (lpos >= 0) & (lpos < POSPT)
        lpos = jnp.where(msk, lpos, 0)
        ids = lax.iota(jnp.int32, 16) + (w * 16 + 1)
        plsc.store_scatter(idb, [lpos], ids, mask=msk)
        return c

    lax.fori_loop(0, NPAD // 16, scan_body, 0)
    pltpu.sync_copy(idb, idp_hbm.at[pl.ds(base, POSPT)])


def _sc_idplane(idx):
    mesh = plsc.VectorSubcoreMesh(core_axis_name="c", subcore_axis_name="s")
    return pl.kernel(
        _sc_idplane_body,
        mesh=mesh,
        compiler_params=pltpu.CompilerParams(needs_layout_passes=False),
        out_type=jax.ShapeDtypeStruct((PLANE,), jnp.int32),
        scratch_types=[
            pltpu.VMEM((NPAD,), jnp.int32),
            pltpu.VMEM((POSPT,), jnp.int32),
        ],
    )(idx)


def _sc_rows_body(vf_hbm, idx_hbm, idp_hbm, ct_hbm, rows, idxb, winb, tgtb,
                  sem):
    sc = lax.axis_index("c")
    t = lax.axis_index("s")
    wid = t * 2 + sc
    vbase = wid * NVPT

    pltpu.sync_copy(idx_hbm.at[pl.ds(vbase, NVPT)], idxb)

    def clamp_body(w, c):
        g = idxb[pl.ds(w * 16, 16)]
        idxb[pl.ds(w * 16, 16)] = jnp.minimum(g, PLANE - 1)
        return c

    lax.fori_loop(0, NVPT // 16, clamp_body, 0)
    pltpu.async_copy(idp_hbm.at[idxb], winb, sem).wait()

    def tgt_body(w, c):
        g = idxb[pl.ds(w * 16, 16)]
        wi = winb[pl.ds(w * 16, 16)]
        vg = lax.iota(jnp.int32, 16) + (vbase + w * 16 + 1)
        tgtb[pl.ds(w * 16, 16)] = jnp.where(
            wi == vg, g, PLANE + lax.iota(jnp.int32, 16)
        )
        return c

    lax.fori_loop(0, NVPT // 16, tgt_body, 0)

    tail = NVOX - (NPAD - NVPT)

    @pl.when(vbase + NVPT <= NVOX)
    def _():
        pltpu.sync_copy(vf_hbm.at[pl.ds(vbase, NVPT)], rows)

    @pl.when(vbase + NVPT > NVOX)
    def _():
        pltpu.sync_copy(
            vf_hbm.at[pl.ds(vbase, tail)], rows.at[pl.ds(0, tail)]
        )

    pltpu.async_copy(rows, ct_hbm.at[tgtb], sem).wait()


def _sc_rows(vf, idx, idp):
    mesh = plsc.VectorSubcoreMesh(core_axis_name="c", subcore_axis_name="s")
    return pl.kernel(
        _sc_rows_body,
        mesh=mesh,
        compiler_params=pltpu.CompilerParams(
            needs_layout_passes=False, use_tc_tiling_on_sc=False),
        out_type=jax.ShapeDtypeStruct((CT_ROWS, NCH), jnp.float32),
        scratch_types=[
            pltpu.VMEM((NVPT, NCH), jnp.float32),
            pltpu.VMEM((NVPT,), jnp.int32),
            pltpu.VMEM((NVPT,), jnp.int32),
            pltpu.VMEM((NVPT,), jnp.int32),
            pltpu.SemaphoreType.DMA,
        ],
    )(vf, idx, idp)


def _tc_paint_body(ct_ref, idp_ref, out_ref):
    m = (idp_ref[...] > 0)[None, :]
    out_ref[...] = jnp.where(m, ct_ref[...].T, 0.0)


def _tc_paint(ct, idp):
    return pl.pallas_call(
        _tc_paint_body,
        grid=(PLANE // TBLK,),
        in_specs=[
            pl.BlockSpec((TBLK, NCH), lambda i: (i, 0)),
            pl.BlockSpec((TBLK,), lambda i: (i,)),
        ],
        out_specs=pl.BlockSpec((NCH, TBLK), lambda i: (0, i)),
        out_shape=jax.ShapeDtypeStruct((NCH, PLANE), jnp.float32),
    )(ct, idp)


def kernel(voxel_features, coords):
    coords_t = coords.astype(jnp.int32).T
    coords_t = jnp.pad(coords_t, ((0, 0), (0, NPAD - NVOX)),
                       constant_values=NXK)
    vf2, idx = _tc_prep(voxel_features, coords_t)
    idp = _sc_idplane(idx)
    ct = _sc_rows(vf2, idx, idp)
    canvas = _tc_paint(ct, idp)
    return canvas.reshape(1, NCH, NXK, NYK)

# --- scband reference (transcript-rebuilt; emitter-appended) ---
"""Pipeline reference for scband-scatter-85375359910339 (READ-ONLY COPY).

The authoritative reference and input builder live on the scoring server;
editing this copy changes nothing except your own understanding.
"""

import jax, jax.numpy as jnp
import numpy as np

NX = 512
NY = 512
NUM_CHANNELS = 64
N_VOXELS = 40000


def setup_inputs(seed: int = 0) -> dict:
    key = jax.random.key(seed)
    k1, k2 = jax.random.split(key)
    voxel_features = jax.random.normal(k1, (N_VOXELS, NUM_CHANNELS), dtype=jnp.float32)
    coords = jax.random.randint(k2, (N_VOXELS, 2), 0, 512, dtype=jnp.int64)
    return {"voxel_features": voxel_features, "coords": coords}


def reference(voxel_features, coords):
    indices = (coords[:, 0] * NY + coords[:, 1]).astype(jnp.int64)
    canvas = jnp.zeros((NUM_CHANNELS, NX * NY), dtype=voxel_features.dtype)
    voxels = voxel_features.T
    canvas = canvas.at[:, indices].set(voxels)
    canvas = canvas.reshape(1, NUM_CHANNELS, NX, NY)
    return canvas

if __name__ == "__main__":
    import jax
    _d = setup_inputs()
    print(jax.jit(kernel)(*tuple(_d.values())))

</pallas_src>

<mosaic_0001>
#map = affine_map<(d0, d1) -> (0)>
module attributes {stable_mosaic.version = 14 : i64} {
  func.func @_sc_idplane_body(%arg0: i32, %arg1: i32, %arg2: memref<40960xi32, #tpu.memory_space<hbm>>, %arg3: memref<262144xi32, #tpu.memory_space<hbm>>, %arg4: memref<40960xi32, #tpu.memory_space<vmem>>, %arg5: memref<8192xi32, #tpu.memory_space<vmem>>) attributes {dimension_semantics = [#tpu.dimension_semantics<core_parallel>, #tpu.dimension_semantics<subcore_parallel>], iteration_bounds = array<i64: 2, 16>, scalar_prefetch = 0 : i64, scratch_operands = 2 : i64, tpu.core_type = #tpu.core_type<sc_vector_subcore>, window_params = [{transform_indices = #map}, {transform_indices = #map}]} {
    %mul3A = arith.constant 2 : i32
    %mul3A_0 = arith.muli %arg1, %mul3A : i32
    %add3A = arith.addi %mul3A_0, %arg0 : i32
    %mul3A_1 = arith.constant 8192 : i32
    %mul3A_2 = arith.muli %add3A, %mul3A_1 : i32
    "tpu.region"() ({
      %run_scoped3A = tpu.sem_alloc : memref<!tpu.dma_semaphore, #tpu.memory_space<semaphore_mem>>
      tpu.enqueue_dma source(%arg2 : memref<40960xi32, #tpu.memory_space<hbm>>) target(%arg4 : memref<40960xi32, #tpu.memory_space<vmem>>) target_semaphore(%run_scoped3A : memref<!tpu.dma_semaphore, #tpu.memory_space<semaphore_mem>>)
      tpu.wait_dma2 semaphore(%run_scoped3A : memref<!tpu.dma_semaphore, #tpu.memory_space<semaphore_mem>>) src(%arg2 : memref<40960xi32, #tpu.memory_space<hbm>>) dst(%arg4 : memref<40960xi32, #tpu.memory_space<vmem>>)
      tpu.yield
    }) : () -> ()
    %scan3A = arith.constant 0 : i32
    %scan3A_3 = arith.constant 0 : i32
    %scan3A_4 = arith.constant 512 : i32
    %scan3A_5 = arith.addi %scan3A_3, %scan3A_4 : i32
    %scan3A_6 = arith.constant 1 : i32
    scf.for %scan3A_14 = %scan3A_3 to %scan3A_5 step %scan3A_6  : i32 {
      %broadcast_in_dim3A = arith.constant 0 : i32
      %broadcast_in_dim3A_15 = vector.broadcast %broadcast_in_dim3A : i32 to vector<16xi32>
      %mul3A_16 = arith.constant 16 : i32
      %mul3A_17 = arith.muli %scan3A_14, %mul3A_16 : i32
      %swap3A = arith.index_cast %mul3A_17 : i32 to index
      %swap3A_18 = tpu.vector_load %arg5[%swap3A] {strides = array<i32>} : memref<8192xi32, #tpu.memory_space<vmem>>, vector<16xi32>,
      tpu.vector_store %arg5[%swap3A], %broadcast_in_dim3A_15 {strides = array<i32>} : memref<8192xi32, #tpu.memory_space<vmem>>, vector<16xi32>,
    }
    %scan3A_7 = arith.constant 512 : i32
    %scan3A_8 = arith.constant 0 : i32
    %scan3A_9 = arith.constant 0 : i32
    %scan3A_10 = arith.constant 2560 : i32
    %scan3A_11 = arith.addi %scan3A_9, %scan3A_10 : i32
    %scan3A_12 = arith.constant 1 : i32
    scf.for %scan3A_14 = %scan3A_9 to %scan3A_11 step %scan3A_12  : i32 {
      %mul3A_15 = arith.constant 16 : i32
      %mul3A_16 = arith.muli %scan3A_14, %mul3A_15 : i32
      %get3A = arith.index_cast %mul3A_16 : i32 to index
      %get3A_17 = tpu.vector_load %arg4[%get3A] {strides = array<i32>} : memref<40960xi32, #tpu.memory_space<vmem>>, vector<16xi32>,
      %sub3A = vector.broadcast %mul3A_2 : i32 to vector<16xi32>
      %sub3A_18 = arith.subi %get3A_17, %sub3A : vector<16xi32>
      %ge3A = arith.constant 0 : i32
      %ge3A_19 = vector.broadcast %ge3A : i32 to vector<16xi32>
      %ge3A_20 = arith.cmpi sge, %sub3A_18, %ge3A_19 : vector<16xi32>
      %lt3A = arith.constant 8192 : i32
      %lt3A_21 = vector.broadcast %lt3A : i32 to vector<16xi32>
      %lt3A_22 = arith.cmpi slt, %sub3A_18, %lt3A_21 : vector<16xi32>
      %and3A = arith.andi %ge3A_20, %lt3A_22 : vector<16xi1>
      %jit3A = arith.constant 0 : i32
      %broadcast_in_dim3A = vector.broadcast %jit3A : i32 to vector<16xi32>
      %select_n3A = arith.select %and3A, %sub3A_18, %broadcast_in_dim3A : vector<16xi1>, vector<16xi32>
      %iota3A = tpu.iota {dimensions = array<i32: 0>} : vector<16xi32>
      %mul3A_23 = arith.constant 16 : i32
      %mul3A_24 = arith.muli %scan3A_14, %mul3A_23 : i32
      %add3A_25 = arith.constant 1 : i32
      %add3A_26 = arith.addi %mul3A_24, %add3A_25 : i32
      %add3A_27 = vector.broadcast %add3A_26 : i32 to vector<16xi32>
      %add3A_28 = arith.addi %iota3A, %add3A_27 : vector<16xi32>
      tpu.vector_store_idx %arg5[%select_n3A], %add3A_28 masked %and3A : memref<8192xi32, #tpu.memory_space<vmem>>[vector<16xi32>], vector<16xi32>, vector<16xi1>
    }
    %scan3A_13 = arith.constant 2560 : i32
    "tpu.region"() ({
      %run_scoped3A = tpu.sem_alloc : memref<!tpu.dma_semaphore, #tpu.memory_space<semaphore_mem>>
      %dma_start3A = tpu.memref_slice %arg3[%mul3A_2] : memref<262144xi32, #tpu.memory_space<hbm>> -> memref<8192xi32, #tpu.memory_space<hbm>>
      %dma_start3A_14 = tpu.memref_slice %arg3[%mul3A_2] : memref<262144xi32, #tpu.memory_space<hbm>> -> memref<8192xi32, #tpu.memory_space<hbm>>
      tpu.enqueue_dma source(%arg5 : memref<8192xi32, #tpu.memory_space<vmem>>) target(%dma_start3A_14 : memref<8192xi32, #tpu.memory_space<hbm>>) target_semaphore(%run_scoped3A : memref<!tpu.dma_semaphore, #tpu.memory_space<semaphore_mem>>)
      %dma_wait3A = tpu.memref_slice %arg3[%mul3A_2] : memref<262144xi32, #tpu.memory_space<hbm>> -> memref<8192xi32, #tpu.memory_space<hbm>>
      %dma_wait3A_15 = tpu.memref_slice %arg3[%mul3A_2] : memref<262144xi32, #tpu.memory_space<hbm>> -> memref<8192xi32, #tpu.memory_space<hbm>>
      tpu.wait_dma2 semaphore(%run_scoped3A : memref<!tpu.dma_semaphore, #tpu.memory_space<semaphore_mem>>) src(%arg5 : memref<8192xi32, #tpu.memory_space<vmem>>) dst(%dma_wait3A_15 : memref<8192xi32, #tpu.memory_space<hbm>>)
      tpu.yield
    }) : () -> ()
    return
  }
}

#map = affine_map<(d0, d1) -> (0, 0)>
#map1 = affine_map<(d0, d1) -> (0)>
module attributes {stable_mosaic.version = 14 : i64} {
  func.func @_sc_rows_body(%arg0: i32, %arg1: i32, %arg2: memref<40000x64xf32, #tpu.memory_space<hbm>>, %arg3: memref<40960xi32, #tpu.memory_space<hbm>>, %arg4: memref<262144xi32, #tpu.memory_space<hbm>>, %arg5: memref<270336x64xf32, #tpu.memory_space<hbm>>, %arg6: memref<1280x64xf32, #tpu.memory_space<vmem>>, %arg7: memref<1280xi32, #tpu.memory_space<vmem>>, %arg8: memref<1280xi32, #tpu.memory_space<vmem>>, %arg9: memref<1280xi32, #tpu.memory_space<vmem>>, %arg10: memref<!tpu.dma_semaphore, #tpu.memory_space<semaphore_mem>>) attributes {dimension_semantics = [#tpu.dimension_semantics<core_parallel>, #tpu.dimension_semantics<subcore_parallel>], iteration_bounds = array<i64: 2, 16>, scalar_prefetch = 0 : i64, scratch_operands = 5 : i64, tpu.core_type = #tpu.core_type<sc_vector_subcore>, window_params = [{transform_indices = #map}, {transform_indices = #map1}, {transform_indices = #map1}, {transform_indices = #map}]} {
    %mul3A = arith.constant 2 : i32
    %mul3A_0 = arith.muli %arg1, %mul3A : i32
    %add3A = arith.addi %mul3A_0, %arg0 : i32
    %mul3A_1 = arith.constant 1280 : i32
    %mul3A_2 = arith.muli %add3A, %mul3A_1 : i32
    "tpu.region"() ({
      %run_scoped3A = tpu.sem_alloc : memref<!tpu.dma_semaphore, #tpu.memory_space<semaphore_mem>>
      %dma_start3A_32 = tpu.memref_slice %arg3[%mul3A_2] : memref<40960xi32, #tpu.memory_space<hbm>> -> memref<1280xi32, #tpu.memory_space<hbm>>
      %dma_start3A_33 = tpu.memref_slice %arg3[%mul3A_2] : memref<40960xi32, #tpu.memory_space<hbm>> -> memref<1280xi32, #tpu.memory_space<hbm>>
      tpu.enqueue_dma source(%dma_start3A_33 : memref<1280xi32, #tpu.memory_space<hbm>>) target(%arg7 : memref<1280xi32, #tpu.memory_space<vmem>>) target_semaphore(%run_scoped3A : memref<!tpu.dma_semaphore, #tpu.memory_space<semaphore_mem>>)
      %dma_wait3A_34 = tpu.memref_slice %arg3[%mul3A_2] : memref<40960xi32, #tpu.memory_space<hbm>> -> memref<1280xi32, #tpu.memory_space<hbm>>
      %dma_wait3A_35 = tpu.memref_slice %arg3[%mul3A_2] : memref<40960xi32, #tpu.memory_space<hbm>> -> memref<1280xi32, #tpu.memory_space<hbm>>
      tpu.wait_dma2 semaphore(%run_scoped3A : memref<!tpu.dma_semaphore, #tpu.memory_space<semaphore_mem>>) src(%dma_wait3A_35 : memref<1280xi32, #tpu.memory_space<hbm>>) dst(%arg7 : memref<1280xi32, #tpu.memory_space<vmem>>)
      tpu.yield
    }) : () -> ()
    %scan3A = arith.constant 0 : i32
    %scan3A_3 = arith.constant 0 : i32
    %scan3A_4 = arith.constant 80 : i32
    %scan3A_5 = arith.addi %scan3A_3, %scan3A_4 : i32
    %scan3A_6 = arith.constant 1 : i32
    scf.for %scan3A_32 = %scan3A_3 to %scan3A_5 step %scan3A_6  : i32 {
      %mul3A_33 = arith.constant 16 : i32
      %mul3A_34 = arith.muli %scan3A_32, %mul3A_33 : i32
      %get3A = arith.index_cast %mul3A_34 : i32 to index
      %get3A_35 = tpu.vector_load %arg7[%get3A] {strides = array<i32>} : memref<1280xi32, #tpu.memory_space<vmem>>, vector<16xi32>,
      %min3A = arith.constant 262143 : i32
      %min3A_36 = vector.broadcast %min3A : i32 to vector<16xi32>
      %min3A_37 = arith.minsi %get3A_35, %min3A_36 : vector<16xi32>
      %mul3A_38 = arith.constant 16 : i32
      %mul3A_39 = arith.muli %scan3A_32, %mul3A_38 : i32
      %swap3A = arith.index_cast %mul3A_39 : i32 to index
      %swap3A_40 = tpu.vector_load %arg7[%swap3A] {strides = array<i32>} : memref<1280xi32, #tpu.memory_space<vmem>>, vector<16xi32>,
      tpu.vector_store %arg7[%swap3A], %min3A_37 {strides = array<i32>} : memref<1280xi32, #tpu.memory_space<vmem>>, vector<16xi32>,
    }
    %scan3A_7 = arith.constant 80 : i32
    %dma_start3A = arith.constant 0 : i32
    %dma_start3A_8 = tpu.memref_slice %arg4[%dma_start3A] : memref<262144xi32, #tpu.memory_space<hbm>> -> memref<262144xi32, #tpu.memory_space<hbm>>
    tpu.enqueue_indirect_dma source(%dma_start3A_8 : memref<262144xi32, #tpu.memory_space<hbm>>) target(%arg8 : memref<1280xi32, #tpu.memory_space<vmem>>) offsets(%arg7 : memref<1280xi32, #tpu.memory_space<vmem>>) semaphore(%arg10 : memref<!tpu.dma_semaphore, #tpu.memory_space<semaphore_mem>>)
    %dma_wait3A = arith.constant 0 : i32
    %dma_wait3A_9 = tpu.memref_slice %arg4[%dma_wait3A] : memref<262144xi32, #tpu.memory_space<hbm>> -> memref<262144xi32, #tpu.memory_space<hbm>>
    tpu.wait_indirect_dma semaphore(%arg10 : memref<!tpu.dma_semaphore, #tpu.memory_space<semaphore_mem>>) src(%dma_wait3A_9 : memref<262144xi32, #tpu.memory_space<hbm>>) dst(%arg8 : memref<1280xi32, #tpu.memory_space<vmem>>)
    %scan3A_10 = arith.constant 0 : i32
    %scan3A_11 = arith.constant 0 : i32
    %scan3A_12 = arith.constant 80 : i32
    %scan3A_13 = arith.addi %scan3A_11, %scan3A_12 : i32
    %scan3A_14 = arith.constant 1 : i32
    scf.for %scan3A_32 = %scan3A_11 to %scan3A_13 step %scan3A_14  : i32 {
      %mul3A_33 = arith.constant 16 : i32
      %mul3A_34 = arith.muli %scan3A_32, %mul3A_33 : i32
      %get3A = arith.index_cast %mul3A_34 : i32 to index
      %get3A_35 = tpu.vector_load %arg7[%get3A] {strides = array<i32>} : memref<1280xi32, #tpu.memory_space<vmem>>, vector<16xi32>,
      %mul3A_36 = arith.constant 16 : i32
      %mul3A_37 = arith.muli %scan3A_32, %mul3A_36 : i32
      %get3A_38 = arith.index_cast %mul3A_37 : i32 to index
      %get3A_39 = tpu.vector_load %arg8[%get3A_38] {strides = array<i32>} : memref<1280xi32, #tpu.memory_space<vmem>>, vector<16xi32>,
      %iota3A = tpu.iota {dimensions = array<i32: 0>} : vector<16xi32>
      %mul3A_40 = arith.constant 16 : i32
      %mul3A_41 = arith.muli %scan3A_32, %mul3A_40 : i32
      %add3A_42 = arith.addi %mul3A_2, %mul3A_41 : i32
      %add3A_43 = arith.constant 1 : i32
      %add3A_44 = arith.addi %add3A_42, %add3A_43 : i32
      %add3A_45 = vector.broadcast %add3A_44 : i32 to vector<16xi32>
      %add3A_46 = arith.addi %iota3A, %add3A_45 : vector<16xi32>
      %eq3A = arith.cmpi eq, %get3A_39, %add3A_46 : vector<16xi32>
      %iota3A_47 = tpu.iota {dimensions = array<i32: 0>} : vector<16xi32>
      %add3A_48 = arith.constant 262144 : i32
      %add3A_49 = vector.broadcast %add3A_48 : i32 to vector<16xi32>
      %add3A_50 = arith.addi %add3A_49, %iota3A_47 : vector<16xi32>
      %select_n3A = arith.select %eq3A, %get3A_35, %add3A_50 : vector<16xi1>, vector<16xi32>
      %mul3A_51 = arith.constant 16 : i32
      %mul3A_52 = arith.muli %scan3A_32, %mul3A_51 : i32
      %swap3A = arith.index_cast %mul3A_52 : i32 to index
      %swap3A_53 = tpu.vector_load %arg9[%swap3A] {strides = array<i32>} : memref<1280xi32, #tpu.memory_space<vmem>>, vector<16xi32>,
      tpu.vector_store %arg9[%swap3A], %select_n3A {strides = array<i32>} : memref<1280xi32, #tpu.memory_space<vmem>>, vector<16xi32>,
    }
    %scan3A_15 = arith.constant 80 : i32
    %add3A_16 = arith.constant 1280 : i32
    %add3A_17 = arith.addi %mul3A_2, %add3A_16 : i32
    %le3A = arith.constant 40000 : i32
    %le3A_18 = arith.cmpi sle, %add3A_17, %le3A : i32
    %convert_element_type3A = arith.extui %le3A_18 : i1 to i32
    %cond3A = arith.constant 0 : i32
    %cond3A_19 = arith.cmpi ne, %convert_element_type3A, %cond3A : i32
    scf.if %cond3A_19 {
      "tpu.region"() ({
        %run_scoped3A = tpu.sem_alloc : memref<!tpu.dma_semaphore, #tpu.memory_space<semaphore_mem>>
        %dma_start3A_32 = arith.constant 0 : i32
        %dma_start3A_33 = tpu.memref_slice %arg2[%mul3A_2, %dma_start3A_32] : memref<40000x64xf32, #tpu.memory_space<hbm>> -> memref<1280x64xf32, #tpu.memory_space<hbm>>
        %dma_start3A_34 = arith.constant 0 : i32
        %dma_start3A_35 = tpu.memref_slice %arg2[%mul3A_2, %dma_start3A_34] : memref<40000x64xf32, #tpu.memory_space<hbm>> -> memref<1280x64xf32, #tpu.memory_space<hbm>>
        tpu.enqueue_dma source(%dma_start3A_35 : memref<1280x64xf32, #tpu.memory_space<hbm>>) target(%arg6 : memref<1280x64xf32, #tpu.memory_space<vmem>>) target_semaphore(%run_scoped3A : memref<!tpu.dma_semaphore, #tpu.memory_space<semaphore_mem>>)
        %dma_wait3A_36 = arith.constant 0 : i32
        %dma_wait3A_37 = tpu.memref_slice %arg2[%mul3A_2, %dma_wait3A_36] : memref<40000x64xf32, #tpu.memory_space<hbm>> -> memref<1280x64xf32, #tpu.memory_space<hbm>>
        %dma_wait3A_38 = arith.constant 0 : i32
        %dma_wait3A_39 = tpu.memref_slice %arg2[%mul3A_2, %dma_wait3A_38] : memref<40000x64xf32, #tpu.memory_space<hbm>> -> memref<1280x64xf32, #tpu.memory_space<hbm>>
        tpu.wait_dma2 semaphore(%run_scoped3A : memref<!tpu.dma_semaphore, #tpu.memory_space<semaphore_mem>>) src(%dma_wait3A_39 : memref<1280x64xf32, #tpu.memory_space<hbm>>) dst(%arg6 : memref<1280x64xf32, #tpu.memory_space<vmem>>)
        tpu.yield
      }) : () -> ()
    } else {
    }
    %add3A_20 = arith.constant 1280 : i32
    %add3A_21 = arith.addi %mul3A_2, %add3A_20 : i32
    %gt3A = arith.constant 40000 : i32
    %gt3A_22 = arith.cmpi sgt, %add3A_21, %gt3A : i32
    %convert_element_type3A_23 = arith.extui %gt3A_22 : i1 to i32
    %cond3A_24 = arith.constant 0 : i32
    %cond3A_25 = arith.cmpi ne, %convert_element_type3A_23, %cond3A_24 : i32
    scf.if %cond3A_25 {
      "tpu.region"() ({
        %run_scoped3A = tpu.sem_alloc : memref<!tpu.dma_semaphore, #tpu.memory_space<semaphore_mem>>
        %dma_start3A_32 = arith.constant 0 : i32
        %dma_start3A_33 = arith.constant 0 : i32
        %dma_start3A_34 = tpu.memref_slice %arg6[%dma_start3A_32, %dma_start3A_33] : memref<1280x64xf32, #tpu.memory_space<vmem>> -> memref<320x64xf32, #tpu.memory_space<vmem>>
        %dma_start3A_35 = arith.constant 0 : i32
        %dma_start3A_36 = tpu.memref_slice %arg2[%mul3A_2, %dma_start3A_35] : memref<40000x64xf32, #tpu.memory_space<hbm>> -> memref<320x64xf32, #tpu.memory_space<hbm>>
        %dma_start3A_37 = arith.constant 0 : i32
        %dma_start3A_38 = arith.constant 0 : i32
        %dma_start3A_39 = tpu.memref_slice %arg6[%dma_start3A_37, %dma_start3A_38] : memref<1280x64xf32, #tpu.memory_space<vmem>> -> memref<320x64xf32, #tpu.memory_space<vmem>>
        %dma_start3A_40 = arith.constant 0 : i32
        %dma_start3A_41 = tpu.memref_slice %arg2[%mul3A_2, %dma_start3A_40] : memref<40000x64xf32, #tpu.memory_space<hbm>> -> memref<320x64xf32, #tpu.memory_space<hbm>>
        tpu.enqueue_dma source(%dma_start3A_41 : memref<320x64xf32, #tpu.memory_space<hbm>>) target(%dma_start3A_39 : memref<320x64xf32, #tpu.memory_space<vmem>>) target_semaphore(%run_scoped3A : memref<!tpu.dma_semaphore, #tpu.memory_space<semaphore_mem>>)
        %dma_wait3A_42 = arith.constant 0 : i32
        %dma_wait3A_43 = arith.constant 0 : i32
        %dma_wait3A_44 = tpu.memref_slice %arg6[%dma_wait3A_42, %dma_wait3A_43] : memref<1280x64xf32, #tpu.memory_space<vmem>> -> memref<320x64xf32, #tpu.memory_space<vmem>>
        %dma_wait3A_45 = arith.constant 0 : i32
        %dma_wait3A_46 = tpu.memref_slice %arg2[%mul3A_2, %dma_wait3A_45] : memref<40000x64xf32, #tpu.memory_space<hbm>> -> memref<320x64xf32, #tpu.memory_space<hbm>>
        %dma_wait3A_47 = arith.constant 0 : i32
        %dma_wait3A_48 = arith.constant 0 : i32
        %dma_wait3A_49 = tpu.memref_slice %arg6[%dma_wait3A_47, %dma_wait3A_48] : memref<1280x64xf32, #tpu.memory_space<vmem>> -> memref<320x64xf32, #tpu.memory_space<vmem>>
        %dma_wait3A_50 = arith.constant 0 : i32
        %dma_wait3A_51 = tpu.memref_slice %arg2[%mul3A_2, %dma_wait3A_50] : memref<40000x64xf32, #tpu.memory_space<hbm>> -> memref<320x64xf32, #tpu.memory_space<hbm>>
        tpu.wait_dma2 semaphore(%run_scoped3A : memref<!tpu.dma_semaphore, #tpu.memory_space<semaphore_mem>>) src(%dma_wait3A_51 : memref<320x64xf32, #tpu.memory_space<hbm>>) dst(%dma_wait3A_49 : memref<320x64xf32, #tpu.memory_space<vmem>>)
        tpu.yield
      }) : () -> ()
    } else {
    }
    %dma_start3A_26 = arith.constant 0 : i32
    %dma_start3A_27 = arith.constant 0 : i32
    %dma_start3A_28 = tpu.memref_slice %arg5[%dma_start3A_26, %dma_start3A_27] : memref<270336x64xf32, #tpu.memory_space<hbm>> -> memref<270336x64xf32, #tpu.memory_space<hbm>>
    tpu.enqueue_indirect_dma source(%arg6 : memref<1280x64xf32, #tpu.memory_space<vmem>>) target(%dma_start3A_28 : memref<270336x64xf32, #tpu.memory_space<hbm>>) offsets(%arg9 : memref<1280xi32, #tpu.memory_space<vmem>>) semaphore(%arg10 : memref<!tpu.dma_semaphore, #tpu.memory_space<semaphore_mem>>)
    %dma_wait3A_29 = arith.constant 0 : i32
    %dma_wait3A_30 = arith.constant 0 : i32
    %dma_wait3A_31 = tpu.memref_slice %arg5[%dma_wait3A_29, %dma_wait3A_30] : memref<270336x64xf32, #tpu.memory_space<hbm>> -> memref<270336x64xf32, #tpu.memory_space<hbm>>
    tpu.wait_indirect_dma semaphore(%arg10 : memref<!tpu.dma_semaphore, #tpu.memory_space<semaphore_mem>>) src(%arg6 : memref<1280x64xf32, #tpu.memory_space<vmem>>) dst(%dma_wait3A_31 : memref<270336x64xf32, #tpu.memory_space<hbm>>)
    return
  }
}

module attributes {stable_mosaic.version = 14 : i64} {
  func.func @_tc_prep_body(%arg0: i32, %arg1: memref<2000x64xf32, #tpu.memory_space<vmem>>, %arg2: memref<2x40960xi32, #tpu.memory_space<vmem>>, %arg3: memref<2000x64xf32, #tpu.memory_space<vmem>>, %arg4: memref<2048xi32, #tpu.memory_space<vmem>>) attributes {dimension_semantics = [#tpu.dimension_semantics<arbitrary>], iteration_bounds = array<i64: 20>, scalar_prefetch = 0 : i64, scratch_operands = 0 : i64, tpu.core_type = #tpu.core_type<tc>, window_params = [{transform_indices = @transform_0, window_bounds = array<i64: 2000, 64>}, {pipeline_mode = #tpu.pipeline_mode<synchronous>, transform_indices = @transform_1, window_bounds = array<i64: 2, 40960>}, {transform_indices = @transform_2, window_bounds = array<i64: 2000, 64>}, {transform_indices = @transform_3, window_bounds = array<i64: 2048>}]} {
    %get3A = arith.constant 0 : index
    %get3A_0 = arith.constant 0 : index
    %get3A_1 = vector.load %arg1[%get3A, %get3A_0] : memref<2000x64xf32, #tpu.memory_space<vmem>>, vector<2000x64xf32>
    %swap3A = arith.constant 0 : index
    %swap3A_2 = arith.constant 0 : index
    %swap3A_3 = vector.load %arg3[%swap3A, %swap3A_2] : memref<2000x64xf32, #tpu.memory_space<vmem>>, vector<2000x64xf32>
    tpu.vector_store %arg3[%swap3A, %swap3A_2], %get3A_1 {strides = array<i32>} : memref<2000x64xf32, #tpu.memory_space<vmem>>, vector<2000x64xf32>,
    %mul3A = arith.constant 2048 : i32
    %mul3A_4 = arith.muli %arg0, %mul3A : i32
    %get3A_5 = arith.constant 0 : index
    %get3A_6 = arith.index_cast %mul3A_4 : i32 to index
    %get3A_7 = vector.load %arg2[%get3A_5, %get3A_6] : memref<2x40960xi32, #tpu.memory_space<vmem>>, vector<2x2048xi32>
    %slice3A = vector.extract_strided_slice %get3A_7 {offsets = [0, 0], sizes = [1, 2048], strides = [1, 1]} : vector<2x2048xi32> to vector<1x2048xi32>
    %squeeze3A = vector.shape_cast %slice3A : vector<1x2048xi32> to vector<2048xi32>
    %mul3A_8 = arith.constant 512 : i32
    %mul3A_9 = vector.broadcast %mul3A_8 : i32 to vector<2048xi32>
    %mul3A_10 = arith.muli %squeeze3A, %mul3A_9 : vector<2048xi32>
    %slice3A_11 = vector.extract_strided_slice %get3A_7 {offsets = [1, 0], sizes = [1, 2048], strides = [1, 1]} : vector<2x2048xi32> to vector<1x2048xi32>
    %squeeze3A_12 = vector.shape_cast %slice3A_11 : vector<1x2048xi32> to vector<2048xi32>
    %add3A = arith.addi %mul3A_10, %squeeze3A_12 : vector<2048xi32>
    %swap3A_13 = arith.constant 0 : index
    %swap3A_14 = vector.load %arg4[%swap3A_13] : memref<2048xi32, #tpu.memory_space<vmem>>, vector<2048xi32>
    tpu.vector_store %arg4[%swap3A_13], %add3A {strides = array<i32>} : memref<2048xi32, #tpu.memory_space<vmem>>, vector<2048xi32>,
    return
  }
  func.func @transform_0(%arg0: i32) -> (i32, i32) {
    %c0_i32 = arith.constant 0 : i32
    %c0_i32_0 = arith.constant 0 : i32
    return %arg0, %c0_i32 : i32, i32
  }
  func.func @transform_1(%arg0: i32) -> (i32, i32) {
    %c0_i32 = arith.constant 0 : i32
    %c0_i32_0 = arith.constant 0 : i32
    %c0_i32_1 = arith.constant 0 : i32
    return %c0_i32, %c0_i32_0 : i32, i32
  }
  func.func @transform_2(%arg0: i32) -> (i32, i32) {
    %c0_i32 = arith.constant 0 : i32
    %c0_i32_0 = arith.constant 0 : i32
    return %arg0, %c0_i32 : i32, i32
  }
  func.func @transform_3(%arg0: i32) -> i32 {
    %c0_i32 = arith.constant 0 : i32
    return %arg0 : i32
  }
}

module attributes {stable_mosaic.version = 14 : i64} {
  func.func @_tc_paint_body(%arg0: i32, %arg1: memref<8192x64xf32, #tpu.memory_space<vmem>>, %arg2: memref<8192xi32, #tpu.memory_space<vmem>>, %arg3: memref<64x8192xf32, #tpu.memory_space<vmem>>) attributes {dimension_semantics = [#tpu.dimension_semantics<arbitrary>], iteration_bounds = array<i64: 32>, scalar_prefetch = 0 : i64, scratch_operands = 0 : i64, tpu.core_type = #tpu.core_type<tc>, window_params = [{transform_indices = @transform_0, window_bounds = array<i64: 8192, 64>}, {transform_indices = @transform_1, window_bounds = array<i64: 8192>}, {transform_indices = @transform_2, window_bounds = array<i64: 64, 8192>}]} {
    %get3A = arith.constant 0 : index
    %get3A_0 = vector.load %arg2[%get3A] : memref<8192xi32, #tpu.memory_space<vmem>>, vector<8192xi32>
    %gt3A = arith.constant 0 : i32
    %gt3A_1 = vector.broadcast %gt3A : i32 to vector<8192xi32>
    %gt3A_2 = arith.cmpi sgt, %get3A_0, %gt3A_1 : vector<8192xi32>
    %broadcast_in_dim3A = vector.shape_cast %gt3A_2 : vector<8192xi1> to vector<1x8192xi1>
    %get3A_3 = arith.constant 0 : index
    %get3A_4 = arith.constant 0 : index
    %get3A_5 = vector.load %arg1[%get3A_3, %get3A_4] : memref<8192x64xf32, #tpu.memory_space<vmem>>, vector<8192x64xf32>
    %transpose3A = tpu.transpose %get3A_5, [1, 0] : vector<8192x64xf32> -> vector<64x8192xf32>
    %jit3A = arith.constant 0.000000e+00 : f32
    %broadcast_in_dim3A_6 = vector.shape_cast %broadcast_in_dim3A : vector<1x8192xi1> to vector<1x8192xi1>
    %broadcast_in_dim3A_7 = vector.broadcast %broadcast_in_dim3A_6 : vector<1x8192xi1> to vector<64x8192xi1>
    %broadcast_in_dim3A_8 = vector.broadcast %jit3A : f32 to vector<64x8192xf32>
    %select_n3A = arith.select %broadcast_in_dim3A_7, %transpose3A, %broadcast_in_dim3A_8 : vector<64x8192xi1>, vector<64x8192xf32>
    %swap3A = arith.constant 0 : index
    %swap3A_9 = arith.constant 0 : index
    %swap3A_10 = vector.load %arg3[%swap3A, %swap3A_9] : memref<64x8192xf32, #tpu.memory_space<vmem>>, vector<64x8192xf32>
    tpu.vector_store %arg3[%swap3A, %swap3A_9], %select_n3A {strides = array<i32>} : memref<64x8192xf32, #tpu.memory_space<vmem>>, vector<64x8192xf32>,
    return
  }
  func.func @transform_0(%arg0: i32) -> (i32, i32) {
    %c0_i32 = arith.constant 0 : i32
    %c0_i32_0 = arith.constant 0 : i32
    return %arg0, %c0_i32 : i32, i32
  }
  func.func @transform_1(%arg0: i32) -> i32 {
    %c0_i32 = arith.constant 0 : i32
    return %arg0 : i32
  }
  func.func @transform_2(%arg0: i32) -> (i32, i32) {
    %c0_i32 = arith.constant 0 : i32
    %c0_i32_0 = arith.constant 0 : i32
    return %c0_i32, %arg0 : i32, i32
  }
}

</mosaic_0001>

<sc_bundles>
// kernel: kernel.6.cloned.1.call-start
scs
__scs_entry_jumppad:
0x0: {  	(pc) =	sbr.rel $0x88, $3  }
0x1: {  	(tag) =	ssettag $0x0;
	lr =	simm.s32 $0x1  }
0x2: {  	[smem:$0x3F9F] =	sst lr;
	_ =	strace $0xD0000000  }
0x3: {  	_ = 	snop  }
0x4: {  	_ = 	snop  }
0x5: {  	_ = 	snop  }
0x6: {  	_ = 	snop  }
0x7: {  	_ = 	snop  }
__scs_overlays_trampoline_lowered:
0x8: {  	[smem:$0x3FAE] =	sst s0  }
0x9: {  	[smem:$0x3FAF] =	sst s1  }
0xa: {  	[smem:$0x3FB0] =	sst s2  }
0xb: {  	[smem:$0x3FB1] =	sst s3  }
0xc: {  	[smem:$0x3FB2] =	sst s4  }
0xd: {  	[smem:$0x3FB3] =	sst s5  }
0xe: {  	[smem:$0x3FB4] =	sst s6  }
0xf: {  	[smem:$0x3FB5] =	sst s7  }
0x10: {  	[smem:$0x3FB6] =	sst s8  }
0x11: {  	[smem:$0x3FB7] =	sst s9;
	s0 =	simm.s32 @!p0 $0x0  }
0x12: {  	s1 =	sld [smem:$0x3F9D];
	s0 =	simm.s32 @p0 $0x1  }
0x13: {  	[smem:$0x3FB8] =	sst s0;
	s0 =	simm.s32 @!p1 $0x0  }
0x14: {  	s2 =	sld [smem:$0x3F9C];
	s0 =	simm.s32 @p1 $0x1  }
0x15: {  	[smem:$0x3FB9] =	sst s0;
	s0 =	simm.s32 @!p2 $0x0  }
0x16: {  	s3 =	sld [smem:$0x3FDB];
	s0 =	simm.s32 @p2 $0x1  }
0x17: {  	s4 =	simm.s32 $0x1BF5;
	[smem:$0x3FBB] =	sst s0  }
0x18: {  	s0 =	sld [smem:$0x3F9E];
	_ =	swait.ge [sflag:s4], $0x0  }
0x19: {  	s7 =	sld [smem:$0x3F9F]  }
0x1a: {  	s8 =	sadd.s32 $0xFFFFE003, lr  }
0x1b: {  	s9 =	sadd.s32 $0xFFFFFEF7, lr;
	s5 =	simm.s32 $0xFFFFFFFF;
	p2 =	slt.u32 s8, $0xFFFFF086  }
0x1c: {  	p1 =	slt.u32 s9, $0xF7A;
	s5 =	simm.s32 @!p2 $0x0  }
0x1d: {  	s5 =	simm.s32 @p1 $0x1;
	p0 =	seq.s32 s7, s2  }
0x1e: {  	s7 =	smul.u32 @!p0 $0xF7A, s2;
	p2 =	seq.s32 @!p0 s5, $0x0  }
0x1f: {  	s9 =	smul.u32 $0xF7A, s1;
	s8 =	simm.s32 @!p0 $0x1BF5;
	p2 =	por !p2, p0  }
0x20: {  	[sflag:s8] =	ssyncset.s32 @!p0 $0xFFFFF086;
	s6 =	sadd.s32 @!p0 s3, s7;
	s7 =	simm.s32 @!p0 $0x108  }
0x21: {  	s3 =	sadd.s32 s3, s9;
	s6 =	sadd.s32 @!p0 $0x88, s6;
	s7 =	simm.s32 @p2 $0x1082  }
0x22: {  	[simem:s7], [sflag:s8] =	dma.local @!p0 [hbm:s6], $0xF7A  }
0x23: {  	s9 =	sor.u32 $0xD0000000, s2;
	s6 =	simm.s32 $0x108;
	_ =	swait.ge @!p0 [sflag:s8], $0x0  }
0x24: {  	s3 =	sadd.s32 $0x88, s3;
	s6 =	simm.s32 @!p1 $0x1082;
	[sflag:s4] =	ssyncset.s32 $0xFFFFF086  }
0x25: {  	[simem:s6], [sflag:s4] =	dma.local [hbm:s3], $0xF7A  }
0x26: {  	[smem:$0x3F9F] =	sst s1;
	(tag) =	ssettag s2;
	_ =	strace s9  }
0x27: {  	s1 =	sld [smem:$0x3FAF]  }
0x28: {  	s2 =	sld [smem:$0x3FB0]  }
0x29: {  	s4 =	sld [smem:$0x3FB2]  }
0x2a: {  	p0 =	seq.s32 s5, $0x0;
	s5 =	sld [smem:$0x3FB3]  }
0x2b: {  	s6 =	sld [smem:$0x3FB4]  }
0x2c: {  	s7 =	sld [smem:$0x3FB5]  }
0x2d: {  	s3 =	simm.s32 $0x108;
	s8 =	sld [smem:$0x3FB6]  }
0x2e: {  	s3 =	simm.s32 @!p0 $0x1082;
	s9 =	sld [smem:$0x3FB7]  }
0x2f: {  	lr =	sadd.s32 s0, s3;
	s0 =	sld [smem:$0x3FAE]  }
0x30: {  	s3 =	sld [smem:$0x3FB1]  }
0x31: {  	[smem:$0x3FBA] =	sst s10  }
0x32: {  	s10 =	sld [smem:$0x3FB8];
	_ =	sdelay $0x3  }
0x33: {  	p0 =	seq.s32 s10, $0x1;
	s10 =	sld [smem:$0x3FBA];
	_ =	sdelay $0x3  }
0x34: {  	[smem:$0x3FBA] =	sst s10  }
0x35: {  	s10 =	sld [smem:$0x3FB9];
	_ =	sdelay $0x3  }
0x36: {  	p1 =	seq.s32 s10, $0x1;
	s10 =	sld [smem:$0x3FBA];
	_ =	sdelay $0x3  }
0x37: {  	[smem:$0x3FBA] =	sst s10  }
0x38: {  	s10 =	sld [smem:$0x3FBB]  }
0x39: {  	_ = 	snop;
	(pc) =	sbr.ind lr, $3  }
0x3a: {  	_ = 	snop  }
0x3b: {  	_ = 	snop  }
0x3c: {  	p2 =	seq.s32 s10, $0x1;
	s10 =	sld [smem:$0x3FBA]  }
0x3d: {  	_ =	shalt  }
0x3e: {  	_ =	shalt  }
0x3f: {  	_ =	shalt  }
0x40: {  	_ =	shalt  }
0x41: {  	_ =	shalt  }
0x42: {  	_ =	shalt  }
0x43: {  	_ =	shalt  }
0x44: {  	_ =	shalt  }
0x45: {  	_ =	shalt  }
0x46: {  	_ =	shalt  }
0x47: {  	_ =	shalt  }
0x48: {  	_ =	shalt  }
0x49: {  	_ =	shalt  }
0x4a: {  	_ =	shalt  }
0x4b: {  	_ =	shalt  }
0x4c: {  	_ =	shalt  }
0x4d: {  	_ =	shalt  }
0x4e: {  	_ =	shalt  }
0x4f: {  	_ =	shalt  }
0x50: {  	_ =	shalt  }
0x51: {  	_ =	shalt  }
0x52: {  	_ =	shalt  }
0x53: {  	_ =	shalt  }
0x54: {  	_ =	shalt  }
0x55: {  	_ =	shalt  }
0x56: {  	_ =	shalt  }
0x57: {  	_ =	shalt  }
0x58: {  	_ =	shalt  }
0x59: {  	_ =	shalt  }
0x5a: {  	_ =	shalt  }
0x5b: {  	_ =	shalt  }
0x5c: {  	_ =	shalt  }
0x5d: {  	_ =	shalt  }
0x5e: {  	_ =	shalt  }
0x5f: {  	_ =	shalt  }
0x60: {  	_ =	shalt  }
0x61: {  	_ =	shalt  }
0x62: {  	_ =	shalt  }
0x63: {  	_ =	shalt  }
0x64: {  	_ =	shalt  }
0x65: {  	_ =	shalt  }
0x66: {  	_ =	shalt  }
0x67: {  	_ =	shalt  }
0x68: {  	_ =	shalt  }
0x69: {  	_ =	shalt  }
0x6a: {  	_ =	shalt  }
0x6b: {  	_ =	shalt  }
0x6c: {  	_ =	shalt  }
0x6d: {  	_ =	shalt  }
0x6e: {  	_ =	shalt  }
0x6f: {  	_ =	shalt  }
0x70: {  	_ =	shalt  }
0x71: {  	_ =	shalt  }
0x72: {  	_ =	shalt  }
0x73: {  	_ =	shalt  }
0x74: {  	_ =	shalt  }
0x75: {  	_ =	shalt  }
0x76: {  	_ =	shalt  }
0x77: {  	_ =	shalt  }
0x78: {  	_ =	shalt  }
0x79: {  	_ =	shalt  }
0x7a: {  	_ =	shalt  }
0x7b: {  	_ =	shalt  }
0x7c: {  	_ =	shalt  }
0x7d: {  	_ =	shalt  }
0x7e: {  	_ =	shalt  }
0x7f: {  	_ =	shalt  }
0x80: {  	_ =	shalt  }
0x81: {  	_ =	shalt  }
0x82: {  	_ =	shalt  }
0x83: {  	_ =	shalt  }
0x84: {  	_ =	shalt  }
0x85: {  	_ =	shalt  }
0x86: {  	_ =	shalt  }
0x87: {  	_ =	shalt  }
.Lfunc_end0:
.L_simem_size_0:
called_computation.1_lowered:
.L_overlay_start_0:
0x88: {  	s2 =	sld [smem:$0x3FD9]  }
0x89: {  	s3 =	sld [smem:$0x3FFE];
	_ =	sdelay $0x1  }
0x8a: {  	s1 =	srdreg.scid  }
0x8b: {  	s0 =	sand.u32 $0x1, s1  }
0x8c: {  	s16 =	sshll.u32 s0, $0xA;
	s2 =	sadd.s32 s3, s2  }
0x8d: {  	s2 =	sadd.s32 s2, s16  }
0x8e: {  	[smem:$0x3FC6] =	sst s2  }
0x8f: {  	_ = 	snop  }
0x90: {  	(tm) =	ssettm $0x1  }
0x91: {  	s17 =	sld [smem:$0x3FFB];
	_ =	sdelay $0x3  }
0x92: {  	_ =	strace s17  }
0x93: {  	s2 =	sld [smem:$0x3FFC];
	_ =	sdelay $0x3  }
0x94: {  	_ =	strace s2  }
0x95: {  	s2 =	sld [smem:$0x3FFD];
	_ =	sdelay $0x3  }
0x96: {  	_ =	strace s2  }
0x97: {  	_ =	strace $0x8FFFFFFF  }
0x98: {  	s18 =	sld [smem:$0x3FDB];
	_ =	sdelay $0x1  }
0x99: {  	s19 =	simm.s32 $_scs_section_size  }
0x9a: {  	s4 =	simm.s32 $_size__tile_overlayer_lowered;
	s5 =	simm.s32 $_tile_overlayer_lowered  }
0x9b: {  	s22 =	simm.s32 $0x1BFF;
	s21 =	sshll.u32 s5, $0x1;
	s2 =	sadd.s32 s19, s18  }
0x9c: {  	s6 =	simm.s32 $0x0;
	s20 =	sshll.u32 s4, $0x1;
	s4 =	sadd.s32 s21, s2  }
0x9d: {  	[timem:s6], [sflag:s22] =	dma.local [hbm:s4], s20  }
0x9e: {  	_ =	swait.ge [sflag:s22], s20  }
0x9f: {  	s3 =	ssub.s32 $0x0, s20;
	[sflag:s22] =	ssyncset.done $0x0  }
0xa0: {  	[sflag:s22] =	ssyncadd.s32 s3;
	_ =	sdelay $0x1  }
0xa1: {  	s23 =	simm.s32 $0x1B8B  }
0xa2: {  	_ =	swait.ge [sflag:s23], $0x1  }
0xa3: {  	[sflag:s23] =	ssyncset.done $0x0  }
0xa4: {  	s25 =	simm.s32 $0x1B8E;
	s24 =	sld [smem:$0x3FFE];
	[sflag:s23] =	ssyncadd.s32 $0xFFFFFFFF  }
0xa5: {  	s26 =	simm.s32 $execute0_lowered;
	[smem:$0x3FD2] =	sst s25  }
0xa6: {  	s4 =	sshll.u32 s26, $0x1;
	_ =	strace $0x80000046;
	[dreg:$0x1] =	wrdreg $0xFFFFFFFF  }
0xa7: {  	s28 =	simm.s32 $_size_execute0_lowered;
	s2 =	sadd.s32 s2, s4;
	[dreg:$0x0] =	wrdreg $0x0  }
0xa8: {  	s4 =	sshll.u32 s28, $0x1;
	[dreg:$0x2] =	wrdreg s2  }
0xa9: {  	[dreg:$0x3] =	wrdreg s4  }
0xaa: {  	[dreg:$0x4] =	wrdreg $0xC0  }
0xab: {  	_ =	task [dreg:s6], $0x5FFFF  }
0xac: {  	[dreg:$0x1] =	wrdreg $0xFFFFFFFF  }
0xad: {  	[dreg:$0x0] =	wrdreg $0x60  }
0xae: {  	[dreg:$0x2] =	wrdreg s24  }
0xaf: {  	[dreg:$0x3] =	wrdreg $0x9  }
0xb0: {  	_ =	task.clear_ibuf [dreg:s6], $0x4FFFF;
	_ =	strace $0x90000046  }
0xb1: {  	s29 =	simm.s32 $0x9;
	_ =	strace $0x80000048  }
0xb2: {  	_ =	swait.ge [sflag:s29], $0x1  }
0xb3: {  	[sflag:s29] =	ssyncadd.s32 $0xFFFFFFFF  }
0xb4: {  	_ =	strace $0x90000048  }
0xb5: {  	_ =	sfence  }
0xb6: {  	s30 =	sld [smem:$0x0];
	_ =	sdelay $0x2  }
0xb7: {  	s31 =	sshll.u32 s1, $0xD;
	s1 =	sshrl.u32 s1, $0x2  }
0xb8: {  	s3 =	sand.u32 $0x4000, s31;
	s1 =	sadd.s32 s1, s30  }
0xb9: {  	s0 =	sor.u32 s3, s0;
	s1 =	sshll.u32 s1, $0x11  }
0xba: {  	s0 =	sor.u32 s1, s0  }
0xbb: {  	s0 =	sadd.s32 $0x8F2B, s0  }
0xbc: {  	[sflag:s0] =	ssyncadd.remote.s32 $0x1  }
0xbd: {  	_ =	sfence.sel $0xFFFF  }
0xbe: {  	[dreg:$0x0] =	wrdreg $0xFFFFFFFF;
	(pc) =	sbr.abs _section_cstart, $3  }
0xbf: {  	[dreg:$0x1] =	wrdreg $0xFFFFFFFF  }
0xc0: {  	_ =	task.clear_ibuf [dreg:s6], $0x2FFFF;
	_ =	strace $0x9FFFFFFF  }
0xc1: {  	(tm) =	ssettm $0x7FFFFFFF  }
tec
execute0_lowered:
.L_overlay_start_1:
0x0: {  	(tag) =	ssettag $0x1  }
0x1: {  	s0 =	srdreg.scid  }
0x2: {  	s3 =	rddreg [dreg:$0x0];
	s1 =	stileid.u32;
	s2 =	simm.s32 $0x0  }
0x3: {  	s8 =	simm.s32 $0x0;
	s4 =	sand.u32 $0x1, s0;
	s0 =	rddreg [dreg:$0x1]  }
0x4: {  	s5 =	sshll.u32 s1, $0xE;
	s6 =	sshll.u32 s4, $0xD;
	s4 =	ssub.s32 $0x2, s4  }
0x5: {  	[smem:$0x7FF] =	sst s2;
	s6 =	sor.u32 s6, s5;
	s7 =	sshrl.u32 s4, $0x1  }
0x6: {  	_ =	strace $0x80000047;
	s5 =	sshrl.u32 s6, $0x3;
	s7 =	ssub.s32 s4, s7  }
0x7: {  	v0 =	vmov s6;
	s6 =	simm.s32 $0x1;
	s5 =	sadd.s32 s5, s3;
	s3 =	sadd.s32 $0x1200, s3  }
0x8: {  	v1 =	vimm.s32 $0x0;
	v2 =	vlaneseq.u32;
	s4 =	sadd.s32 $0x2600, s5;
	s5 =	smax.u32 s7, $0x1;
	s7 =	simm.s32 $0xA000  }
.LBB2_1:
0x9: {  	[tilespmem:s2], [sflag:$0x1] =	stream.linear.gather [hbm4b:s3+s2], $0xA000, $0x38;
	[tilespmem:$0xC000] =	vst v63  }
0xa: {  	_ =	swait.ge [sflag:s6], $0xA000  }
0xb: {  	[sflag:s6] =	ssyncset.done $0x0  }
0xc: {  	s9 =	simm.s32 $0x0;
	[sflag:s6] =	ssyncadd.s32 $0xFFFF6000  }
.LBB2_2:
0xd: {  	p0 =	sne.s32 s9, $0x7FC0  }
.Ltmp0:
0xe: {  	_ = 	snop;
	(pc) =	sbr.rel @p0 .LBB2_2-.Ltmp0, $3  }
0xf: {  	_ =	sdelay $0x1  }
0x10: {  	s10 =	sshra.s32 s9, $0x2  }
0x11: {  	s9 =	sadd.s32 $0x40, s9;
	[tilespmem:s10+$0xA000] =	vst v1  }
0x12: {  	s10 =	simm.s32 $0x0  }
0x13: {  	s9 =	simm.s32 $0x1;
	s11 =	simm.s32 $0x11;
	v3 =	vld [tilespmem:s10+$0x0]  }
.LBB2_4:
0x14: {  	p0 =	sne.s32 s11, $0x9FF1;
	_ =	sdelay $0x3  }
0x15: {  	v3 =	vsub.s32 v3, v0  }
0x16: {  	vm0 =	vlt.u32 v3, $0x2000  }
0x17: {  	v3 =	vnsel vm0, $0x0, v3;
	_ =	sdelay $0x1  }
.Ltmp1:
0x18: {  	(pc) =	sbr.rel @p0 .LBB2_4-.Ltmp1, $4  }
0x19: {  	_ = 	snop  }
0x1a: {  	v4 =	vadd.s32 s9, v2;
	s9 =	smov.u32 s11  }
0x1b: {  	s10 =	sadd.s32 $0x10, s10;
	[tilespmem:v3+s7+$0x0] =	vst.idx.msk vm0, v4  }
0x1c: {  	s11 =	sadd.s32 $0x10, s11;
	v3 =	vld [tilespmem:s10+$0x0]  }
0x1d: {  	_ =	sdelay $0x3  }
0x1e: {  	v3 =	vsub.s32 v3, v0  }
0x1f: {  	vm0 =	vlt.u32 v3, $0x2000  }
0x20: {  	v3 =	vnsel vm0, $0x0, v3;
	_ =	sdelay $0x2  }
0x21: {  	s8 =	sadd.s32 $0x1, s8  }
0x22: {  	v4 =	vadd.s32 s9, v2;
	p0 =	sne.s32 s8, s5  }
.Ltmp2:
0x23: {  	[tilespmem:v3+s7+$0x0] =	vst.idx.msk vm0, v4;
	(pc) =	sbr.rel @p0 .LBB2_1-.Ltmp2, $4  }
0x24: {  	[hbm4b:s4+s2] =	stream.linear.scatter [tilespmem:s7], [sflag:$0x1], $0x2000, $0x38;
	[tilespmem:$0xC000] =	vst v63  }
0x25: {  	_ =	swait.ge [sflag:s6], $0x2000  }
0x26: {  	[sflag:s6] =	ssyncset.done $0x0  }
0x27: {  	[sflag:s6] =	ssyncadd.s32 $0xFFFFE000  }
0x28: {  	_ =	sfence.sel $0x180000  }
0x29: {  	[bflag:$0x0] =	sbarrier.arrive $0xFFFF  }
0x2a: {  	p0 =	sne.s32 s1, $0x0;
	_ =	strace $0x90000047  }
0x2b: {  	s0 =	sadd.s32 @!p0 $0x100000, s0;
	[bflag:$0x2] =	sbarrier.arrive $0xFFFF  }
0x2c: {  	[sflag:s0] =	ssyncadd.tile.s32 @!p0 $0x1;
	_ =	shalt  }
.Lfunc_end2:
_tile_overlayer_lowered:
.L_overlay_start_2:
0x2d: {  	(tag) =	ssettag $0x2  }
0x2e: {  	s0 =	rddreg [dreg:$0x0];
	s2 =	stileid.u32  }
0x2f: {  	s1 =	rddreg [dreg:$0x1];
	p0 =	sne.s32 s2, $0x0  }
0x30: {  	s3 =	rddreg [dreg:$0x2];
	[bflag:$0x3] =	sbarrier.arrive $0xFFFF;
	s2 =	simm.s32 @!p0 $0x1C01  }
0x31: {  	[timem:s3], [sflag:s2] =	dma.local @!p0 [hbm:s0], s1  }
0x32: {  	s0 =	simm.s32 @!p0 $0x1  }
0x33: {  	_ =	swait.ge @!p0 [sflag:s0], s1  }
0x34: {  	s1 =	ssub.s32 @!p0 $0x0, s1;
	[sflag:s0] =	ssyncset.done @!p0 $0x0  }
0x35: {  	[sflag:s0] =	ssyncadd.s32 @!p0 s1  }
0x36: {  	[bflag:$0x3] =	sbarrier.arrive $0xFFFF  }
0x37: {  	_ =	shalt  }

// kernel: kernel.9.cloned.1.call-start
scs
__scs_entry_jumppad:
0x0: {  	(pc) =	sbr.rel $0x88, $3  }
0x1: {  	(tag) =	ssettag $0x0;
	lr =	simm.s32 $0x1  }
0x2: {  	[smem:$0x3F9F] =	sst lr;
	_ =	strace $0xD0000000  }
0x3: {  	_ = 	snop  }
0x4: {  	_ = 	snop  }
0x5: {  	_ = 	snop  }
0x6: {  	_ = 	snop  }
0x7: {  	_ = 	snop  }
__scs_overlays_trampoline_lowered:
0x8: {  	[smem:$0x3FAE] =	sst s0  }
0x9: {  	[smem:$0x3FAF] =	sst s1  }
0xa: {  	[smem:$0x3FB0] =	sst s2  }
0xb: {  	[smem:$0x3FB1] =	sst s3  }
0xc: {  	[smem:$0x3FB2] =	sst s4  }
0xd: {  	[smem:$0x3FB3] =	sst s5  }
0xe: {  	[smem:$0x3FB4] =	sst s6  }
0xf: {  	[smem:$0x3FB5] =	sst s7  }
0x10: {  	[smem:$0x3FB6] =	sst s8  }
0x11: {  	[smem:$0x3FB7] =	sst s9;
	s0 =	simm.s32 @!p0 $0x0  }
0x12: {  	s1 =	sld [smem:$0x3F9D];
	s0 =	simm.s32 @p0 $0x1  }
0x13: {  	[smem:$0x3FB8] =	sst s0;
	s0 =	simm.s32 @!p1 $0x0  }
0x14: {  	s2 =	sld [smem:$0x3F9C];
	s0 =	simm.s32 @p1 $0x1  }
0x15: {  	[smem:$0x3FB9] =	sst s0;
	s0 =	simm.s32 @!p2 $0x0  }
0x16: {  	s3 =	sld [smem:$0x3FDB];
	s0 =	simm.s32 @p2 $0x1  }
0x17: {  	s4 =	simm.s32 $0x1BF5;
	[smem:$0x3FBB] =	sst s0  }
0x18: {  	s0 =	sld [smem:$0x3F9E];
	_ =	swait.ge [sflag:s4], $0x0  }
0x19: {  	s7 =	sld [smem:$0x3F9F]  }
0x1a: {  	s8 =	sadd.s32 $0xFFFFE003, lr  }
0x1b: {  	s9 =	sadd.s32 $0xFFFFFEF7, lr;
	s5 =	simm.s32 $0xFFFFFFFF;
	p2 =	slt.u32 s8, $0xFFFFF086  }
0x1c: {  	p1 =	slt.u32 s9, $0xF7A;
	s5 =	simm.s32 @!p2 $0x0  }
0x1d: {  	s5 =	simm.s32 @p1 $0x1;
	p0 =	seq.s32 s7, s2  }
0x1e: {  	s7 =	smul.u32 @!p0 $0xF7A, s2;
	p2 =	seq.s32 @!p0 s5, $0x0  }
0x1f: {  	s9 =	smul.u32 $0xF7A, s1;
	s8 =	simm.s32 @!p0 $0x1BF5;
	p2 =	por !p2, p0  }
0x20: {  	[sflag:s8] =	ssyncset.s32 @!p0 $0xFFFFF086;
	s6 =	sadd.s32 @!p0 s3, s7;
	s7 =	simm.s32 @!p0 $0x108  }
0x21: {  	s3 =	sadd.s32 s3, s9;
	s6 =	sadd.s32 @!p0 $0x88, s6;
	s7 =	simm.s32 @p2 $0x1082  }
0x22: {  	[simem:s7], [sflag:s8] =	dma.local @!p0 [hbm:s6], $0xF7A  }
0x23: {  	s9 =	sor.u32 $0xD0000000, s2;
	s6 =	simm.s32 $0x108;
	_ =	swait.ge @!p0 [sflag:s8], $0x0  }
0x24: {  	s3 =	sadd.s32 $0x88, s3;
	s6 =	simm.s32 @!p1 $0x1082;
	[sflag:s4] =	ssyncset.s32 $0xFFFFF086  }
0x25: {  	[simem:s6], [sflag:s4] =	dma.local [hbm:s3], $0xF7A  }
0x26: {  	[smem:$0x3F9F] =	sst s1;
	(tag) =	ssettag s2;
	_ =	strace s9  }
0x27: {  	s1 =	sld [smem:$0x3FAF]  }
0x28: {  	s2 =	sld [smem:$0x3FB0]  }
0x29: {  	s4 =	sld [smem:$0x3FB2]  }
0x2a: {  	p0 =	seq.s32 s5, $0x0;
	s5 =	sld [smem:$0x3FB3]  }
0x2b: {  	s6 =	sld [smem:$0x3FB4]  }
0x2c: {  	s7 =	sld [smem:$0x3FB5]  }
0x2d: {  	s3 =	simm.s32 $0x108;
	s8 =	sld [smem:$0x3FB6]  }
0x2e: {  	s3 =	simm.s32 @!p0 $0x1082;
	s9 =	sld [smem:$0x3FB7]  }
0x2f: {  	lr =	sadd.s32 s0, s3;
	s0 =	sld [smem:$0x3FAE]  }
0x30: {  	s3 =	sld [smem:$0x3FB1]  }
0x31: {  	[smem:$0x3FBA] =	sst s10  }
0x32: {  	s10 =	sld [smem:$0x3FB8];
	_ =	sdelay $0x3  }
0x33: {  	p0 =	seq.s32 s10, $0x1;
	s10 =	sld [smem:$0x3FBA];
	_ =	sdelay $0x3  }
0x34: {  	[smem:$0x3FBA] =	sst s10  }
0x35: {  	s10 =	sld [smem:$0x3FB9];
	_ =	sdelay $0x3  }
0x36: {  	p1 =	seq.s32 s10, $0x1;
	s10 =	sld [smem:$0x3FBA];
	_ =	sdelay $0x3  }
0x37: {  	[smem:$0x3FBA] =	sst s10  }
0x38: {  	s10 =	sld [smem:$0x3FBB]  }
0x39: {  	_ = 	snop;
	(pc) =	sbr.ind lr, $3  }
0x3a: {  	_ = 	snop  }
0x3b: {  	_ = 	snop  }
0x3c: {  	p2 =	seq.s32 s10, $0x1;
	s10 =	sld [smem:$0x3FBA]  }
0x3d: {  	_ =	shalt  }
0x3e: {  	_ =	shalt  }
0x3f: {  	_ =	shalt  }
0x40: {  	_ =	shalt  }
0x41: {  	_ =	shalt  }
0x42: {  	_ =	shalt  }
0x43: {  	_ =	shalt  }
0x44: {  	_ =	shalt  }
0x45: {  	_ =	shalt  }
0x46: {  	_ =	shalt  }
0x47: {  	_ =	shalt  }
0x48: {  	_ =	shalt  }
0x49: {  	_ =	shalt  }
0x4a: {  	_ =	shalt  }
0x4b: {  	_ =	shalt  }
0x4c: {  	_ =	shalt  }
0x4d: {  	_ =	shalt  }
0x4e: {  	_ =	shalt  }
0x4f: {  	_ =	shalt  }
0x50: {  	_ =	shalt  }
0x51: {  	_ =	shalt  }
0x52: {  	_ =	shalt  }
0x53: {  	_ =	shalt  }
0x54: {  	_ =	shalt  }
0x55: {  	_ =	shalt  }
0x56: {  	_ =	shalt  }
0x57: {  	_ =	shalt  }
0x58: {  	_ =	shalt  }
0x59: {  	_ =	shalt  }
0x5a: {  	_ =	shalt  }
0x5b: {  	_ =	shalt  }
0x5c: {  	_ =	shalt  }
0x5d: {  	_ =	shalt  }
0x5e: {  	_ =	shalt  }
0x5f: {  	_ =	shalt  }
0x60: {  	_ =	shalt  }
0x61: {  	_ =	shalt  }
0x62: {  	_ =	shalt  }
0x63: {  	_ =	shalt  }
0x64: {  	_ =	shalt  }
0x65: {  	_ =	shalt  }
0x66: {  	_ =	shalt  }
0x67: {  	_ =	shalt  }
0x68: {  	_ =	shalt  }
0x69: {  	_ =	shalt  }
0x6a: {  	_ =	shalt  }
0x6b: {  	_ =	shalt  }
0x6c: {  	_ =	shalt  }
0x6d: {  	_ =	shalt  }
0x6e: {  	_ =	shalt  }
0x6f: {  	_ =	shalt  }
0x70: {  	_ =	shalt  }
0x71: {  	_ =	shalt  }
0x72: {  	_ =	shalt  }
0x73: {  	_ =	shalt  }
0x74: {  	_ =	shalt  }
0x75: {  	_ =	shalt  }
0x76: {  	_ =	shalt  }
0x77: {  	_ =	shalt  }
0x78: {  	_ =	shalt  }
0x79: {  	_ =	shalt  }
0x7a: {  	_ =	shalt  }
0x7b: {  	_ =	shalt  }
0x7c: {  	_ =	shalt  }
0x7d: {  	_ =	shalt  }
0x7e: {  	_ =	shalt  }
0x7f: {  	_ =	shalt  }
0x80: {  	_ =	shalt  }
0x81: {  	_ =	shalt  }
0x82: {  	_ =	shalt  }
0x83: {  	_ =	shalt  }
0x84: {  	_ =	shalt  }
0x85: {  	_ =	shalt  }
0x86: {  	_ =	shalt  }
0x87: {  	_ =	shalt  }
.Lfunc_end0:
.L_simem_size_0:
called_computation.2_lowered:
.L_overlay_start_0:
0x88: {  	s2 =	sld [smem:$0x3FD9]  }
0x89: {  	s3 =	sld [smem:$0x3FFE];
	_ =	sdelay $0x1  }
0x8a: {  	s1 =	srdreg.scid  }
0x8b: {  	s0 =	sand.u32 $0x1, s1  }
0x8c: {  	s17 =	sshll.u32 s0, $0xA;
	s2 =	sadd.s32 s3, s2  }
0x8d: {  	s2 =	sadd.s32 s2, s17  }
0x8e: {  	[smem:$0x3FC6] =	sst s2  }
0x8f: {  	_ = 	snop  }
0x90: {  	s2 =	sld [smem:$0x3FD0];
	(tm) =	ssettm $0x1  }
0x91: {  	s18 =	sld [smem:$0x3FFB];
	_ =	sdelay $0x3  }
0x92: {  	_ =	strace s18  }
0x93: {  	s3 =	sld [smem:$0x3FFC];
	_ =	sdelay $0x3  }
0x94: {  	_ =	strace s3  }
0x95: {  	s3 =	sld [smem:$0x3FFD];
	_ =	sdelay $0x3  }
0x96: {  	_ =	strace s3  }
0x97: {  	_ =	strace $0x8FFFFFFF  }
0x98: {  	s19 =	sld [smem:$0x3FDB];
	_ =	sdelay $0x1  }
0x99: {  	s4 =	simm.s32 $_scs_section_size  }
0x9a: {  	s5 =	simm.s32 $_size__tile_overlayer_lowered;
	s6 =	simm.s32 $_tile_overlayer_lowered  }
0x9b: {  	s22 =	simm.s32 $0x1BFF;
	s21 =	sshll.u32 s6, $0x1;
	s3 =	sadd.s32 s4, s19  }
0x9c: {  	s7 =	simm.s32 $0x0;
	s20 =	sshll.u32 s5, $0x1;
	s5 =	sadd.s32 s21, s3  }
0x9d: {  	[timem:s7], [sflag:s22] =	dma.local [hbm:s5], s20  }
0x9e: {  	_ =	swait.ge [sflag:s22], s20  }
0x9f: {  	s4 =	ssub.s32 $0x0, s20;
	[sflag:s22] =	ssyncset.done $0x0  }
0xa0: {  	[sflag:s22] =	ssyncadd.s32 s4;
	_ =	sdelay $0x1  }
0xa1: {  	s23 =	simm.s32 $0x1B8B  }
0xa2: {  	_ =	swait.ge [sflag:s23], $0x1  }
0xa3: {  	[sflag:s23] =	ssyncset.done $0x0  }
0xa4: {  	s25 =	simm.s32 $0x1B8E;
	s24 =	sld [smem:$0x3FFE];
	[sflag:s23] =	ssyncadd.s32 $0xFFFFFFFF  }
0xa5: {  	s26 =	simm.s32 $execute0_lowered;
	[smem:$0x3FD2] =	sst s25  }
0xa6: {  	s5 =	sshll.u32 s26, $0x1;
	_ =	strace $0x80000049;
	[dreg:$0x1] =	wrdreg $0xFFFFFFFF  }
0xa7: {  	s28 =	simm.s32 $_size_execute0_lowered;
	s3 =	sadd.s32 s3, s5;
	[dreg:$0x0] =	wrdreg $0x0  }
0xa8: {  	s5 =	sshll.u32 s28, $0x1;
	[dreg:$0x2] =	wrdreg s3  }
0xa9: {  	[dreg:$0x3] =	wrdreg s5  }
0xaa: {  	[dreg:$0x4] =	wrdreg $0xC0  }
0xab: {  	_ =	task [dreg:s7], $0x5FFFF  }
0xac: {  	[dreg:$0x1] =	wrdreg $0xFFFFFFFF  }
0xad: {  	[dreg:$0x0] =	wrdreg $0x60  }
0xae: {  	[dreg:$0x2] =	wrdreg s2  }
0xaf: {  	[dreg:$0x3] =	wrdreg s24  }
0xb0: {  	[dreg:$0x4] =	wrdreg $0x9  }
0xb1: {  	_ =	task.clear_ibuf [dreg:s7], $0x5FFFF;
	_ =	strace $0x90000049  }
0xb2: {  	s29 =	simm.s32 $0x9;
	_ =	strace $0x8000004B  }
0xb3: {  	_ =	swait.ge [sflag:s29], $0x1  }
0xb4: {  	[sflag:s29] =	ssyncadd.s32 $0xFFFFFFFF  }
0xb5: {  	_ =	strace $0x9000004B  }
0xb6: {  	_ =	sfence  }
0xb7: {  	s30 =	sld [smem:$0x0];
	_ =	sdelay $0x2  }
0xb8: {  	s31 =	sshll.u32 s1, $0xD;
	s1 =	sshrl.u32 s1, $0x2  }
0xb9: {  	s3 =	sand.u32 $0x4000, s31;
	s1 =	sadd.s32 s1, s30  }
0xba: {  	s0 =	sor.u32 s3, s0;
	s1 =	sshll.u32 s1, $0x11  }
0xbb: {  	s0 =	sor.u32 s1, s0  }
0xbc: {  	s0 =	sadd.s32 $0x8F2B, s0  }
0xbd: {  	[sflag:s0] =	ssyncadd.remote.s32 $0x1  }
0xbe: {  	_ =	sfence.sel $0xFFFF  }
0xbf: {  	[dreg:$0x0] =	wrdreg $0xFFFFFFFF;
	(pc) =	sbr.abs _section_cstart, $3  }
0xc0: {  	[dreg:$0x1] =	wrdreg $0xFFFFFFFF  }
0xc1: {  	_ =	task.clear_ibuf [dreg:s7], $0x2FFFF;
	_ =	strace $0x9FFFFFFF  }
0xc2: {  	(tm) =	ssettm $0x7FFFFFFF  }
0xc3: {  	_ =	shalt  }
tec
execute0_lowered:
.L_overlay_start_1:
0x0: {  	(tag) =	ssettag $0x1  }
0x1: {  	s1 =	srdreg.scid;
	s6 =	rddreg [dreg:$0x0]  }
0x2: {  	s0 =	stileid.u32;
	s5 =	rddreg [dreg:$0x1];
	s2 =	simm.s32 $0x0  }
0x3: {  	s13 =	simm.s32 $0x1;
	s15 =	simm.s32 $0x0;
	s4 =	sand.u32 $0x1, s1  }
0x4: {  	s30 =	sshll.u32 s0, $0x1;
	s1 =	rddreg [dreg:$0x2];
	s10 =	smul.u32 $0xA00, s0  }
0x5: {  	[smem:$0x7FF] =	sst s2;
	s14 =	sor.u32 s4, s30;
	s12 =	smul.u32 $0x500, s4  }
0x6: {  	_ =	strace $0x8000004A;
	s9 =	ssub.s32 $0x2, s4;
	s3 =	smul.u32 $0x500, s14  }
0x7: {  	s4 =	sadd.s32 $0xA600, s5;
	s7 =	smul.u32 $0x2800, s14;
	s11 =	sshrl.u32 s9, $0x1  }
0x8: {  	p0 =	seq.s32 s14, $0x1F;
	s14 =	simm.s32 $0x14A00;
	s9 =	ssub.s32 s9, s11  }
0x9: {  	s31 =	sadd.s32 s12, s10;
	s10 =	simm.s32 $0x2;
	s11 =	simm.s32 $0x500  }
0xa: {  	s12 =	simm.s32 $0x14500;
	s3 =	sshrl.u32 s3, $0x3;
	s6 =	sadd.s32 s6, s7  }
0xb: {  	v0 =	vlaneseq.u32;
	s7 =	smax.u32 s9, $0x1;
	s9 =	simm.s32 $0x14000;
	s8 =	sadd.s32 s3, s5  }
0xc: {  	v1 =	vor.u32 $0x40000, v0;
	s3 =	sadd.s32 $0x2600, s5;
	s5 =	sadd.s32 $0x1200, s8;
	s8 =	sor.u32 $0x1, s31  }
.LBB2_1:
0xd: {  	[tilespmem:s9], [sflag:$0x2] =	stream.linear.gather [hbm4b:s5+s2], $0x500, $0x38;
	[tilespmem:$0x14F00] =	vst v63  }
0xe: {  	_ =	swait.ge [sflag:s10], $0x500  }
0xf: {  	[sflag:s10] =	ssyncset.done $0x0  }
0x10: {  	s16 =	simm.s32 $0x0;
	s17 =	simm.s32 $0x40;
	[sflag:s10] =	ssyncadd.s32 $0xFFFFFB00  }
.LBB2_2:
0x11: {  	p1 =	sne.s32 s17, $0x13C0;
	v2 =	vld [tilespmem:s16+$0x14000];
	_ =	sdelay $0x2  }
.Ltmp0:
0x12: {  	(pc) =	sbr.rel @p1 .LBB2_2-.Ltmp0, $4  }
0x13: {  	_ = 	snop  }
0x14: {  	vm0 =	vlt.s32 v2, $0x3FFFF  }
0x15: {  	v2 =	vnsel vm0, $0x3FFFF, v2  }
0x16: {  	[tilespmem:s16+$0x14000] =	vst v2;
	s16 =	sshra.s32 s17, $0x2;
	s17 =	sadd.s32 $0x40, s17  }
0x17: {  	v2 =	vld [tilespmem:s16+$0x14000];
	_ =	sdelay $0x4  }
0x18: {  	vm0 =	vlt.s32 v2, $0x3FFFF  }
0x19: {  	v2 =	vnsel vm0, $0x3FFFF, v2  }
0x1a: {  	[tilespmem:s16+$0x14000] =	vst v2  }
0x1b: {  	[tilespmem:s12], [sflag:$0x1] =	stream.indirect.gather [hbm4b:s3+s11], $0x1, s9, s11, $0xb8;
	[tilespmem:$0x14F00] =	vst v63  }
0x1c: {  	_ =	swait.ge [sflag:s13], $0x500  }
0x1d: {  	[sflag:s13] =	ssyncset.done $0x0  }
0x1e: {  	s16 =	simm.s32 $0x0;
	[sflag:s13] =	ssyncadd.s32 $0xFFFFFB00  }
0x1f: {  	v2 =	vld [tilespmem:s16+$0x14500]  }
0x20: {  	v3 =	vld [tilespmem:s16+$0x14000];
	_ =	sdelay $0x2  }
0x21: {  	s17 =	simm.s32 $0x40;
	v4 =	vadd.s32 s8, v0;
	s18 =	smov.u32 s8  }
.LBB2_4:
0x22: {  	s19 =	sshra.s32 s17, $0x2;
	p1 =	sne.s32 s17, $0x13C0;
	s17 =	sadd.s32 $0x40, s17;
	vm0 =	veq.s32 v2, v4  }
.Ltmp1:
0x23: {  	v2 =	vld [tilespmem:s19+$0x14500];
	v4 =	vsel vm0, v3, v1;
	(pc) =	sbr.rel @p1 .LBB2_4-.Ltmp1, $3  }
0x24: {  	v3 =	vld [tilespmem:s19+$0x14000];
	[tilespmem:s16+$0x14A00] =	vst v4;
	s16 =	smov.u32 s19;
	_ =	sdelay $0x1  }
0x25: {  	s18 =	sadd.s32 $0x10, s18  }
0x26: {  	v4 =	vadd.s32 s18, v0  }
0x27: {  	vm0 =	veq.s32 v2, v4  }
0x28: {  	v2 =	vsel vm0, v3, v1  }
0x29: {  	[tilespmem:s16+$0x14A00] =	vst v2;
	s16 =	simm.s32 @p0 $0x0  }
0x2a: {  	[tilespmem:s16], [sflag:$0x2] =	stream.linear.gather @p0 [hbm4b:s6+s16], $0x5000, $0x38;
	[tilespmem:$0x14F00] =	vst v63  }
0x2b: {  	s16 =	simm.s32 @p0 $0x2  }
0x2c: {  	_ =	swait.ge @p0 [sflag:s16], $0x5000  }
0x2d: {  	[sflag:s16] =	ssyncset.done @p0 $0x0  }
0x2e: {  	[sflag:s16] =	ssyncadd.s32 @p0 $0xFFFFB000;
	s16 =	simm.s32 @!p0 $0x0  }
0x2f: {  	[tilespmem:s16], [sflag:$0x2] =	stream.linear.gather @!p0 [hbm4b:s6+s16], $0x14000, $0x38;
	[tilespmem:$0x14F00] =	vst v63  }
0x30: {  	s16 =	simm.s32 @!p0 $0x2  }
0x31: {  	s15 =	sadd.s32 $0x1, s15;
	_ =	swait.ge @!p0 [sflag:s16], $0x14000  }
0x32: {  	p1 =	sne.s32 s15, s7;
	[sflag:s16] =	ssyncset.done @!p0 $0x0  }
.Ltmp2:
0x33: {  	[sflag:s16] =	ssyncadd.s32 @!p0 $0xFFFEC000;
	(pc) =	sbr.rel @p1 .LBB2_1-.Ltmp2, $4  }
0x34: {  	[hbm4b:s4+s11] =	stream.indirect.scatter [tilespmem:s2], [sflag:$0x1], $0x40, s14, s11, $0xb8;
	[tilespmem:$0x14F00] =	vst v63  }
0x35: {  	_ =	swait.ge [sflag:s13], $0x14000  }
0x36: {  	[sflag:s13] =	ssyncset.done $0x0  }
0x37: {  	[sflag:s13] =	ssyncadd.s32 $0xFFFEC000  }
0x38: {  	_ =	sfence.sel $0x180000  }
0x39: {  	[bflag:$0x0] =	sbarrier.arrive $0xFFFF  }
0x3a: {  	p0 =	sne.s32 s0, $0x0;
	_ =	strace $0x9000004A  }
0x3b: {  	s0 =	sadd.s32 @!p0 $0x100000, s1;
	[bflag:$0x2] =	sbarrier.arrive $0xFFFF  }
0x3c: {  	[sflag:s0] =	ssyncadd.tile.s32 @!p0 $0x1;
	_ =	shalt  }
.Lfunc_end2:
_tile_overlayer_lowered:
.L_overlay_start_2:
0x3d: {  	(tag) =	ssettag $0x2  }
0x3e: {  	s0 =	rddreg [dreg:$0x0];
	s2 =	stileid.u32  }
0x3f: {  	s1 =	rddreg [dreg:$0x1];
	p0 =	sne.s32 s2, $0x0  }
0x40: {  	s3 =	rddreg [dreg:$0x2];
	[bflag:$0x3] =	sbarrier.arrive $0xFFFF;
	s2 =	simm.s32 @!p0 $0x1C02  }
0x41: {  	[timem:s3], [sflag:s2] =	dma.local @!p0 [hbm:s0], s1  }
0x42: {  	s0 =	simm.s32 @!p0 $0x2  }
0x43: {  	_ =	swait.ge @!p0 [sflag:s0], s1  }
0x44: {  	s1 =	ssub.s32 @!p0 $0x0, s1;
	[sflag:s0] =	ssyncset.done @!p0 $0x0  }
0x45: {  	[sflag:s0] =	ssyncadd.s32 @!p0 s1  }
0x46: {  	[bflag:$0x3] =	sbarrier.arrive $0xFFFF  }
0x47: {  	_ =	shalt  }

// kernel: sparse-core-data-format-call.cloned.1.call-start
scs
called_computation_lowered:
.L_overlay_start_0:
0x0: {  	s2 =	sld [smem:$0x3FD9]  }
0x1: {  	s3 =	sld [smem:$0x3FFE];
	_ =	sdelay $0x1  }
0x2: {  	s1 =	srdreg.scid  }
0x3: {  	s0 =	sand.u32 $0x1, s1  }
0x4: {  	s18 =	sshll.u32 s0, $0xA;
	s2 =	sadd.s32 s3, s2  }
0x5: {  	s2 =	sadd.s32 s2, s18  }
0x6: {  	[smem:$0x3FC6] =	sst s2  }
0x7: {  	_ = 	snop  }
0x8: {  	s2 =	sld [smem:$0x3FD0];
	(tm) =	ssettm $0x1  }
0x9: {  	s19 =	sld [smem:$0x3FFB];
	_ =	sdelay $0x3  }
0xa: {  	_ =	strace s19  }
0xb: {  	s3 =	sld [smem:$0x3FFC];
	_ =	sdelay $0x3  }
0xc: {  	_ =	strace s3  }
0xd: {  	s3 =	sld [smem:$0x3FFD];
	_ =	sdelay $0x3  }
0xe: {  	_ =	strace s3  }
0xf: {  	_ =	strace $0x8FFFFFFF  }
0x10: {  	s20 =	sld [smem:$0x3FDB];
	_ =	sdelay $0x1  }
0x11: {  	s4 =	simm.s32 $_scs_section_size  }
0x12: {  	s5 =	simm.s32 $_size__tile_overlayer_lowered;
	s6 =	simm.s32 $_tile_overlayer_lowered  }
0x13: {  	s23 =	simm.s32 $0x1BFF;
	s22 =	sshll.u32 s6, $0x1;
	s3 =	sadd.s32 s4, s20  }
0x14: {  	s7 =	simm.s32 $0x0;
	s21 =	sshll.u32 s5, $0x1;
	s5 =	sadd.s32 s22, s3  }
0x15: {  	[timem:s7], [sflag:s23] =	dma.local [hbm:s5], s21  }
0x16: {  	_ =	swait.ge [sflag:s23], s21  }
0x17: {  	s4 =	ssub.s32 $0x0, s21;
	[sflag:s23] =	ssyncset.done $0x0  }
0x18: {  	[sflag:s23] =	ssyncadd.s32 s4;
	_ =	sdelay $0x1  }
0x19: {  	s24 =	simm.s32 $0x1B8B  }
0x1a: {  	_ =	swait.ge [sflag:s24], $0x1  }
0x1b: {  	[sflag:s24] =	ssyncset.done $0x0  }
0x1c: {  	s26 =	simm.s32 $0x1B8E;
	s25 =	sld [smem:$0x3FFE];
	[sflag:s24] =	ssyncadd.s32 $0xFFFFFFFF  }
0x1d: {  	s27 =	simm.s32 $execute0_lowered;
	[smem:$0x3FD2] =	sst s26  }
0x1e: {  	s5 =	sshll.u32 s27, $0x1;
	_ =	strace $0x8000004C;
	[dreg:$0x1] =	wrdreg $0xFFFFFFFF  }
0x1f: {  	s28 =	simm.s32 $_size_execute0_lowered;
	s3 =	sadd.s32 s3, s5;
	[dreg:$0x0] =	wrdreg $0x0  }
0x20: {  	s5 =	sshll.u32 s28, $0x1;
	[dreg:$0x2] =	wrdreg s3  }
0x21: {  	[dreg:$0x3] =	wrdreg s5  }
0x22: {  	[dreg:$0x4] =	wrdreg $0xC0  }
0x23: {  	_ =	task [dreg:s7], $0x5FFFF  }
0x24: {  	[dreg:$0x1] =	wrdreg $0xFFFFFFFF  }
0x25: {  	[dreg:$0x0] =	wrdreg $0x60  }
0x26: {  	[dreg:$0x2] =	wrdreg s25  }
0x27: {  	[dreg:$0x3] =	wrdreg s2  }
0x28: {  	[dreg:$0x4] =	wrdreg $0x9  }
0x29: {  	_ =	task.clear_ibuf [dreg:s7], $0x5FFFF;
	_ =	strace $0x9000004C  }
0x2a: {  	s29 =	simm.s32 $0x9;
	_ =	strace $0x8000004E  }
0x2b: {  	_ =	swait.ge [sflag:s29], $0x1  }
0x2c: {  	[sflag:s29] =	ssyncadd.s32 $0xFFFFFFFF  }
0x2d: {  	_ =	strace $0x9000004E  }
0x2e: {  	_ =	sfence  }
0x2f: {  	s30 =	sld [smem:$0x0];
	_ =	sdelay $0x2  }
0x30: {  	s31 =	sshll.u32 s1, $0xD;
	s1 =	sshrl.u32 s1, $0x2  }
0x31: {  	s3 =	sand.u32 $0x4000, s31;
	s1 =	sadd.s32 s1, s30  }
0x32: {  	s0 =	sor.u32 s3, s0;
	s1 =	sshll.u32 s1, $0x11  }
0x33: {  	s0 =	sor.u32 s1, s0  }
0x34: {  	s0 =	sadd.s32 $0x8F2B, s0  }
0x35: {  	[sflag:s0] =	ssyncadd.remote.s32 $0x1  }
0x36: {  	_ =	sfence.sel $0xFFFF  }
0x37: {  	[dreg:$0x0] =	wrdreg $0xFFFFFFFF;
	(pc) =	sbr.abs _section_cstart, $3  }
0x38: {  	[dreg:$0x1] =	wrdreg $0xFFFFFFFF  }
0x39: {  	_ =	task.clear_ibuf [dreg:s7], $0x2FFFF;
	_ =	strace $0x9FFFFFFF  }
0x3a: {  	(tm) =	ssettm $0x7FFFFFFF  }
0x3b: {  	_ =	shalt  }
tec
execute0_lowered:
.L_overlay_start_1:
0x0: {  	(tag) =	ssettag $0x1  }
0x1: {  	s0 =	srdreg.scid  }
0x2: {  	s5 =	stileid.u32;
	s1 =	rddreg [dreg:$0x0]  }
0x3: {  	s2 =	rddreg [dreg:$0x1];
	_ =	strace $0x8000004D;
	s6 =	simm.s32 $0x1  }
0x4: {  	s7 =	simm.s32 $0x2;
	s16 =	simm.s32 $0x0;
	s9 =	simm.s32 $0x40000  }
0x5: {  	s10 =	simm.s32 $0x0;
	s17 =	simm.s32 $0x0;
	s0 =	sshll.u32 s0, $0x4  }
0x6: {  	s19 =	simm.s32 $0x0;
	s18 =	simm.s32 $0x0;
	s0 =	sor.u32 s5, s0  }
0x7: {  	s11 =	simm.s32 $0x0;
	s12 =	simm.s32 $0x0;
	s3 =	sand.u32 $0x18, s0  }
0x8: {  	s15 =	simm.s32 $0x0;
	s25 =	simm.s32 $0x0;
	s0 =	ssub.s32 $0x200, s3  }
.Ltmp0:
0x9: {  	s4 =	sadd.s32 $0x1200, s1;
	s31 =	sand.u32 $0x18, s0;
	(pc) =	sbr.rel .LBB1_1-.Ltmp0, $4  }
0xa: {  	s1 =	simm.s32 $0x1;
	[sflag:s6] =	ssyncpa.u1 $0x0;
	p0 =	sne.s32 s31, $0x0  }
0xb: {  	s5 =	sand.u32 $0x7, s5;
	s0 =	sshrl.u32 s0, $0x5;
	s1 =	simm.s32 @!p0 $0x0  }
0xc: {  	[sflag:s7] =	ssyncpa.u1 $0x0;
	s14 =	smov.u32 s5;
	s0 =	sadd.s32 s1, s0  }
0xd: {  	s13 =	smov.u32 s3;
	s7 =	sshll.u32 s0, $0x1;
	s8 =	sshllo.u32 s0, $0x1  }
.LBB1_7:
0xe: {  	s0 =	sadd.s32 $0x100, s11  }
0xf: {  	s1 =	sadd.s32 $0x8, s12;
	s20 =	smov.u32 s12;
	p1 =	sgt.s32 s0, $0x1FF  }
0x10: {  	s20 =	smov.u32 @p1 s1  }
0x11: {  	s21 =	smov.u32 s13;
	s1 =	sadd.s32 $0x20, s13;
	p2 =	sgt.s32 s20, $0x7  }
0x12: {  	s21 =	smov.u32 @p2 s1  }
0x13: {  	s22 =	smov.u32 s14;
	s1 =	sadd.s32 $0x8, s14;
	p3 =	sgt.s32 s21, $0x1FF  }
0x14: {  	p0 =	slt.u32 s15, $0x2;
	s22 =	smov.u32 @p3 s1  }
0x15: {  	s16 =	smov.u32 s11;
	s0 =	simm.s32 @p1 $0x0;
	p1 =	sgt.s32 s22, $0x7  }
0x16: {  	s17 =	smov.u32 s12;
	s22 =	smov.u32 @p1 s5;
	p1 =	sne.s32 s15, s8  }
.Ltmp1:
0x17: {  	s19 =	smov.u32 s13;
	s18 =	smov.u32 s14;
	(pc) =	sbr.rel @!p1 .LBB1_8-.Ltmp1, $4  }
0x18: {  	s10 =	sadd.s32 $0x4000, s10;
	s11 =	smov.u32 s0;
	s1 =	simm.s32 @!p0 $0x2  }
0x19: {  	s20 =	simm.s32 @p2 $0x0;
	s21 =	smov.u32 @p3 s3;
	_ =	swait.ge @!p0 [sflag:s1], $0x4000  }
0x1a: {  	s12 =	smov.u32 s20;
	s13 =	smov.u32 s21;
	[sflag:s1] =	ssyncset.done @!p0 $0x0  }
0x1b: {  	s15 =	sadd.s32 $0x1, s15;
	[sflag:s1] =	ssyncadd.s32 @!p0 $0xFFFFC000;
	s14 =	smov.u32 s22  }
.LBB1_1:
0x1c: {  	p0 =	sge.u32 s15, s7  }
0x1d: {  	s31 =	sadd.s32 $0xFFFFFFFF, s15;
	s0 =	sxor.u32 @!p0 $0xFFFFFFFF, s15;
	s1 =	sshll.u32 @!p0 s11, $0x3  }
0x1e: {  	s20 =	sshll.u32 @!p0 s12, $0x7;
	s21 =	sand.u32 @!p0 $0x78, s11;
	s22 =	sshll.u32 @!p0 s14, $0x12  }
0x1f: {  	s23 =	sshll.u32 @!p0 s13, $0x9;
	s0 =	sshll.u32 @!p0 s0, $0xE;
	s20 =	sand.u32 @!p0 $0x380, s20  }
0x20: {  	s1 =	sand.u32 @!p0 $0xC00, s1;
	s0 =	sand.u32 @!p0 $0x4000, s0;
	s20 =	sor.u32 @!p0 s21, s20  }
0x21: {  	s21 =	sand.u32 @!p0 $0x7, s11;
	s1 =	sor.u32 @!p0 s1, s20;
	s20 =	sadd.s32 @!p0 s4, s22  }
0x22: {  	s21 =	sshll.u32 @!p0 s21, $0x12;
	s1 =	sshrl.u32 @!p0 s1, $0x3;
	s20 =	sadd.s32 @!p0 s23, s20  }
0x23: {  	s1 =	sadd.s32 @!p0 s1, s20;
	s20 =	sor.u32 @!p0 $0x800, s21;
	s21 =	simm.s32 @!p0 $0x1000  }
0x24: {  	[tilespmem:s0], [sflag:$0x1] =	stream.strided.gather @!p0 [hbm4b:s1+s20], $0x4000, s21, s20, $0x38;
	[tilespmem:$0x10000] =	vst v63  }
0x25: {  	p0 =	sge.u32 s31, s7  }
.Ltmp2:
0x26: {  	_ = 	snop;
	(pc) =	sbr.rel @p0 .LBB1_7-.Ltmp2, $1  }
0x27: {  	_ =	sdelay $0x3  }
0x28: {  	s0 =	sshll.u32 s10, $0x2;
	_ =	swait.ge [sflag:s6], $0x4000;
	s1 =	sshll.u32 s15, $0xE  }
0x29: {  	p0 =	por $0x0, $0x0;
	s26 =	simm.s32 $0x0;
	s27 =	simm.s32 $0x0  }
0x2a: {  	s0 =	sand.u32 $0x10000, s0;
	[sflag:s6] =	ssyncset.done $0x0;
	s23 =	sand.u32 $0x4000, s1  }
0x2b: {  	s0 =	sshrl.u32 s0, $0x2;
	[sflag:s6] =	ssyncadd.s32 $0xFFFFC000;
	s20 =	sor.u32 $0x8000, s23  }
0x2c: {  	s21 =	sor.u32 $0x40, s0;
	s22 =	sor.u32 $0x8410, s0;
	s24 =	sadd.s32 $0x8400, s0  }
.LBB1_3:
0x2d: {  	v1 =	vld [tilespmem:s21+$0xFFFFFFD0]  }
0x2e: {  	v2 =	vld [tilespmem:s21+$0x430]  }
0x2f: {  	s0 =	sshll.u32 s27, $0xB;
	v4 =	vld [tilespmem:s21+$0xFFFFFFE0]  }
0x30: {  	v7 =	vld [tilespmem:s21+$0xFFFFFFF0];
	v0 =	vmov s0  }
0x31: {  	v8 =	vld [tilespmem:s21+$0x0]  }
0x32: {  	v9 =	vld [tilespmem:s21+$0x10];
	s0 =	sand.u32 $0x300, s25  }
0x33: {  	s1 =	sand.u32 $0x80, s25;
	v10 =	vld [tilespmem:s21+$0x20];
	s0 =	sadd.s32 s0, s23  }
0x34: {  	v11 =	vld [tilespmem:s21+$0x30];
	s0 =	sadd.s32 s1, s0;
	s1 =	simm.s32 $0x1;
	[tilespmem:s22+$0x60] =	vst v2  }
0x35: {  	s1 =	simm.s32 @!p0 $0x0;
	[tilespmem:s22+$0xFFFFFC00] =	vst v1;
	v3 =	vld.idx.msk [tilespmem:v0+s0+$0x400 ss:$0x1], $0xffff;
	s0 =	sshll.u32 s26, $0x2  }
0x36: {  	v6 =	vld [tilespmem:s21+$0x3D0];
	s1 =	sshll.u32 s1, $0x9;
	[tilespmem:s22+$0xFFFFFC10] =	vst v4;
	s0 =	sand.u32 $0xFFFFFC00, s0  }
0x37: {  	v5 =	vld [tilespmem:s21+$0x3E0];
	[tilespmem:s22+$0xFFFFFC20] =	vst v7;
	s0 =	sor.u32 s1, s0  }
0x38: {  	[tilespmem:s22+$0xFFFFFC30] =	vst v8;
	v4 =	vld [tilespmem:s21+$0x400];
	s0 =	sshrl.u32 s0, $0x2  }
0x39: {  	[tilespmem:s22+$0xFFFFFC40] =	vst v9;
	v1 =	vld [tilespmem:s21+$0x410];
	s28 =	sadd.s32 s0, s24  }
0x3a: {  	[tilespmem:s28+$0x0] =	vst v3;
	v3 =	vld [tilespmem:s21+$0x3F0]  }
0x3b: {  	s31 =	simm.s32 $0x100;
	[tilespmem:s22+$0xFFFFFC50] =	vst v10;
	v2 =	vld [tilespmem:s21+$0x420];
	s1 =	simm.s32 $0x80  }
0x3c: {  	s29 =	sadd.s32 $0x80, s21;
	s30 =	smov.u32 s22;
	v7 =	vld [tilespmem:s21+$0xFFFFFFC0];
	[tilespmem:s22+$0xFFFFFC60] =	vst v11;
	s0 =	sand.u32 $0x300, s1  }
.LBB1_4:
0x3d: {  	p1 =	sne.s32 s31, $0x380;
	v8 =	vld [tilespmem:s29+$0xFFFFFFD0];
	s1 =	sand.u32 $0x80, s1;
	s0 =	sadd.s32 s0, s23;
	[tilespmem:s30+$0x0] =	vst v6  }
0x3e: {  	s0 =	sadd.s32 s1, s0;
	v6 =	vld [tilespmem:s29+$0x430];
	[tilespmem:s30+$0x10] =	vst v5;
	s1 =	smov.u32 s31  }
0x3f: {  	v5 =	vld.idx.msk [tilespmem:v0+s0+$0x400 ss:$0x1], $0xffff;
	[tilespmem:s30+$0x20] =	vst v3  }
0x40: {  	v3 =	vld [tilespmem:s29+$0xFFFFFFE0];
	[tilespmem:s30+$0x30] =	vst v4  }
0x41: {  	v4 =	vld [tilespmem:s29+$0xFFFFFFF0];
	[tilespmem:s30+$0xFFFFFBF0] =	vst v7  }
0x42: {  	v7 =	vld [tilespmem:s29+$0x0];
	[tilespmem:s30+$0x40] =	vst v1  }
0x43: {  	v1 =	vld [tilespmem:s29+$0x10];
	[tilespmem:s30+$0x50] =	vst v2;
	s30 =	sadd.s32 $0x800, s30  }
0x44: {  	s28 =	sadd.s32 $0x800, s28;
	v2 =	vld [tilespmem:s29+$0x20];
	[tilespmem:s30+$0x60] =	vst v6  }
0x45: {  	v9 =	vld [tilespmem:s29+$0x30];
	[tilespmem:s28+$0x0] =	vst v5  }
0x46: {  	[tilespmem:s30+$0xFFFFFC00] =	vst v8;
	v6 =	vld [tilespmem:s29+$0x3D0]  }
0x47: {  	[tilespmem:s30+$0xFFFFFC10] =	vst v3;
	v5 =	vld [tilespmem:s29+$0x3E0]  }
.Ltmp3:
0x48: {  	[tilespmem:s30+$0xFFFFFC20] =	vst v4;
	v3 =	vld [tilespmem:s29+$0x3F0];
	(pc) =	sbr.rel @p1 .LBB1_4-.Ltmp3, $4  }
0x49: {  	[tilespmem:s30+$0xFFFFFC30] =	vst v7;
	v4 =	vld [tilespmem:s29+$0x400]  }
0x4a: {  	[tilespmem:s30+$0xFFFFFC40] =	vst v1;
	v1 =	vld [tilespmem:s29+$0x410]  }
0x4b: {  	[tilespmem:s30+$0xFFFFFC50] =	vst v2;
	v2 =	vld [tilespmem:s29+$0x420]  }
0x4c: {  	s31 =	sadd.s32 $0x80, s31;
	s0 =	sand.u32 $0x300, s1;
	v7 =	vld [tilespmem:s29+$0xFFFFFFC0];
	[tilespmem:s30+$0xFFFFFC60] =	vst v9;
	s29 =	sadd.s32 $0x80, s29  }
0x4d: {  	[tilespmem:s30+$0x0] =	vst v6  }
0x4e: {  	[tilespmem:s30+$0x10] =	vst v5  }
0x4f: {  	v49 =	vld [tilespmem:s29+$0x430];
	[tilespmem:s30+$0x20] =	vst v3  }
0x50: {  	v50 =	vld [tilespmem:s29+$0xFFFFFFD0];
	[tilespmem:s30+$0x30] =	vst v4  }
0x51: {  	v51 =	vld [tilespmem:s29+$0xFFFFFFE0];
	[tilespmem:s30+$0x40] =	vst v1  }
0x52: {  	v52 =	vld [tilespmem:s29+$0xFFFFFFF0];
	[tilespmem:s30+$0x50] =	vst v2  }
0x53: {  	v53 =	vld [tilespmem:s29+$0x0];
	[tilespmem:s30+$0xFFFFFBF0] =	vst v7;
	s30 =	sadd.s32 $0x800, s30  }
0x54: {  	v54 =	vld [tilespmem:s29+$0x10];
	[tilespmem:s30+$0x60] =	vst v49  }
0x55: {  	v55 =	vld [tilespmem:s29+$0x20];
	[tilespmem:s30+$0xFFFFFC00] =	vst v50  }
0x56: {  	v56 =	vld [tilespmem:s29+$0x30];
	[tilespmem:s30+$0xFFFFFC10] =	vst v51  }
0x57: {  	v57 =	vld [tilespmem:s29+$0x3D0];
	[tilespmem:s30+$0xFFFFFC20] =	vst v52  }
0x58: {  	v58 =	vld [tilespmem:s29+$0x3E0];
	[tilespmem:s30+$0xFFFFFC30] =	vst v53  }
0x59: {  	v59 =	vld [tilespmem:s29+$0x3F0];
	[tilespmem:s30+$0xFFFFFC40] =	vst v54  }
0x5a: {  	v60 =	vld [tilespmem:s29+$0x400];
	[tilespmem:s30+$0xFFFFFC50] =	vst v55  }
0x5b: {  	v61 =	vld [tilespmem:s29+$0xFFFFFFC0];
	[tilespmem:s30+$0xFFFFFC60] =	vst v56  }
0x5c: {  	s1 =	sand.u32 $0x80, s1;
	s0 =	sadd.s32 s0, s23;
	v62 =	vld [tilespmem:s29+$0x410];
	[tilespmem:s30+$0x0] =	vst v57  }
0x5d: {  	v63 =	vld [tilespmem:s29+$0x420];
	s27 =	sadd.s32 $0x1, s27;
	s0 =	sadd.s32 s1, s0;
	[tilespmem:s30+$0x10] =	vst v58  }
0x5e: {  	p1 =	sne.s32 s27, $0x8;
	v0 =	vld.idx.msk [tilespmem:v0+s0+$0x400 ss:$0x1], $0xffff;
	[tilespmem:s30+$0x20] =	vst v59  }
.Ltmp4:
0x5f: {  	[tilespmem:s30+$0x30] =	vst v60;
	(pc) =	sbr.rel @p1 .LBB1_3-.Ltmp4, $4  }
0x60: {  	[tilespmem:s30+$0xFFFFFBF0] =	vst v61  }
0x61: {  	[tilespmem:s30+$0x40] =	vst v62  }
0x62: {  	s31 =	sadd.s32 $0x800, s28;
	s21 =	sadd.s32 $0x800, s21;
	[tilespmem:s30+$0x50] =	vst v63  }
0x63: {  	s26 =	sadd.s32 $0x80, s26;
	p0 =	por !p0, !p0;
	s22 =	sadd.s32 $0x80, s22;
	[tilespmem:s31+$0x0] =	vst v0  }
0x64: {  	s0 =	sand.u32 $0x78, s16  }
0x65: {  	s1 =	sshll.u32 s19, $0x9;
	s21 =	sshll.u32 s16, $0x3;
	s28 =	sshll.u32 s19, $0x7  }
0x66: {  	s18 =	sshll.u32 s18, $0x12;
	s17 =	sshll.u32 s17, $0xF;
	s30 =	sand.u32 $0x7, s16  }
0x67: {  	s1 =	sand.u32 $0x3F000, s1;
	s21 =	sand.u32 $0x3FC00, s21;
	s29 =	sand.u32 $0x200, s28  }
0x68: {  	s19 =	sand.u32 $0x180, s28;
	s18 =	sadd.s32 s2, s18;
	s1 =	sadd.s32 s1, s21  }
.Ltmp5:
0x69: {  	s0 =	sor.u32 s19, s0;
	s1 =	sor.u32 s29, s1;
	(pc) =	sbr.rel .LBB1_7-.Ltmp5, $4  }
0x6a: {  	s17 =	sadd.s32 s17, s18;
	s0 =	sshrl.u32 s0, $0x3;
	s1 =	sshrl.u32 s1, $0x3  }
0x6b: {  	s16 =	sshll.u32 s30, $0x12;
	s0 =	sadd.s32 s0, s17;
	s1 =	sand.u32 $0x7FC0, s1  }
0x6c: {  	s31 =	sor.u32 $0x800, s16;
	s0 =	sadd.s32 s1, s0  }
0x6d: {  	[hbm4b:s0+s31] =	stream.strided.scatter [tilespmem:s20], [sflag:$0x2], $0x4000, s9, s31, $0x38;
	[tilespmem:$0x10000] =	vst v63  }
.LBB1_8:
0x6e: {  	_ =	sfence.sel $0x180000  }
0x6f: {  	s0 =	simm.s32 $0x1;
	[bflag:$0x0] =	sbarrier.arrive $0xFFFF  }
0x70: {  	s30 =	simm.s32 $0x2;
	[sflag:s0] =	ssyncpa.u1 $0x1  }
0x71: {  	[sflag:s30] =	ssyncpa.u1 $0x1  }
0x72: {  	_ =	strace $0x9000004D  }
0x73: {  	s31 =	stileid.u32;
	[bflag:$0x2] =	sbarrier.arrive $0xFFFF  }
0x74: {  	p0 =	sne.s32 s31, $0x0;
	s0 =	rddreg [dreg:$0x2]  }
0x75: {  	s0 =	sadd.s32 @!p0 $0x100000, s0  }
0x76: {  	[sflag:s0] =	ssyncadd.tile.s32 @!p0 $0x1;
	_ =	shalt  }
.Lfunc_end1:
_tile_overlayer_lowered:
.L_overlay_start_2:
0x77: {  	(tag) =	ssettag $0x2  }
0x78: {  	s0 =	rddreg [dreg:$0x0];
	s2 =	stileid.u32  }
0x79: {  	s1 =	rddreg [dreg:$0x1];
	p0 =	sne.s32 s2, $0x0  }
0x7a: {  	s3 =	rddreg [dreg:$0x2];
	[bflag:$0x3] =	sbarrier.arrive $0xFFFF;
	s2 =	simm.s32 @!p0 $0x1C01  }
0x7b: {  	[timem:s3], [sflag:s2] =	dma.local @!p0 [hbm:s0], s1  }
0x7c: {  	s0 =	simm.s32 @!p0 $0x1  }
0x7d: {  	_ =	swait.ge @!p0 [sflag:s0], s1  }
0x7e: {  	s1 =	ssub.s32 @!p0 $0x0, s1;
	[sflag:s0] =	ssyncset.done @!p0 $0x0  }
0x7f: {  	[sflag:s0] =	ssyncadd.s32 @!p0 s1  }
0x80: {  	[bflag:$0x3] =	sbarrier.arrive $0xFFFF  }
0x81: {  	_ =	shalt  }

</sc_bundles>
